<compile_context>
chip_gen: v7x
topology: tpu7x:2x2x1
jax: 0.10.2.dev20260603
libtpu: 0.0.44.dev20260713+nightly
codegen_flags: <defaults>
</compile_context>

<pallas_src>
import functools

import jax
import jax.numpy as jnp
from jax import lax
from jax.experimental import pallas as pl
from jax.experimental.pallas import tpu as pltpu
from jax.experimental.pallas import tpu_sc as plsc

T = 2048
H = 768
E = 64
F = 1536
LB_W = 0.01
RB = 64
TB = 512
NC, NS = 2, 16
NW = NC * NS
RPW = T // NW
LANES = 16
HG = H + 128


def _router_body(x_ref, wg_ref, pos_ref, xg_ref, off_ref, cnt_ref, aux_ref):
    x = x_ref[...]
    wg = wg_ref[...]
    logits = jnp.dot(x, wg, preferred_element_type=jnp.float32)
    mx = jnp.max(logits, axis=1, keepdims=True)
    p = jnp.exp(logits - mx)
    s = jnp.sum(p, axis=1, keepdims=True)
    probs = p / s
    gate = jnp.max(probs, axis=1, keepdims=True)
    eio = lax.broadcasted_iota(jnp.int32, (T, E), 1)
    ids = jnp.min(jnp.where(probs == gate, eio, E), axis=1, keepdims=True)
    onehot = (eio == ids).astype(jnp.float32)

    ltb = (lax.broadcasted_iota(jnp.int32, (TB, TB), 0)
           > lax.broadcasted_iota(jnp.int32, (TB, TB), 1)).astype(jnp.float32)
    base = jnp.zeros((1, E), jnp.float32)
    for b in range(T // TB):
        mb = onehot[b * TB:(b + 1) * TB]
        within = jnp.dot(ltb, mb, preferred_element_type=jnp.float32)
        rank_b = jnp.sum((within + base) * mb, axis=1, keepdims=True)
        pos_ref[b * TB:(b + 1) * TB, :] = rank_b.astype(jnp.int32)
        base = base + jnp.sum(mb, axis=0, keepdims=True)
    counts = base

    offs = jnp.sum((ids < eio).astype(jnp.float32), axis=0, keepdims=True)
    tok_off = jnp.sum(onehot * offs, axis=1, keepdims=True)
    pos_ref[...] = pos_ref[...] + tok_off.astype(jnp.int32)

    xg_ref[:, :H] = x
    xg_ref[:, H:] = jnp.broadcast_to(gate, (T, HG - H))
    off_ref[...] = offs.astype(jnp.int32)
    cnt_ref[...] = counts.astype(jnp.int32)
    pmean = jnp.sum(probs, axis=0, keepdims=True) / T
    aux = E * jnp.sum((counts / T) * pmean, keepdims=True) * LB_W
    aux_ref[...] = aux.reshape(1, 1)


def _router(x, wg):
    return pl.pallas_call(
        _router_body,
        out_shape=(
            jax.ShapeDtypeStruct((T, 1), jnp.int32),
            jax.ShapeDtypeStruct((T, HG), jnp.float32),
            jax.ShapeDtypeStruct((1, E), jnp.int32),
            jax.ShapeDtypeStruct((1, E), jnp.int32),
            jax.ShapeDtypeStruct((1, 1), jnp.float32),
        ),
    )(x, wg)


@functools.lru_cache(maxsize=None)
def _sc_gather_kernel(width):
    mesh = plsc.VectorSubcoreMesh(core_axis_name="c", subcore_axis_name="s")

    @functools.partial(
        pl.kernel,
        mesh=mesh,
        out_type=jax.ShapeDtypeStruct((T, width), jnp.float32),
        scratch_types=[
            pltpu.VMEM((RPW,), jnp.int32),
            pltpu.VMEM((RPW, width), jnp.float32),
            pltpu.SemaphoreType.DMA,
        ],
    )
    def sc_gather(tab_hbm, idx_hbm, out_hbm, idx_v, rows_v, sem):
        wid = lax.axis_index("s") * NC + lax.axis_index("c")
        b0 = wid * RPW
        pltpu.sync_copy(idx_hbm.at[pl.ds(b0, RPW)], idx_v)
        pltpu.async_copy(tab_hbm.at[idx_v], rows_v, sem).wait()
        pltpu.sync_copy(rows_v, out_hbm.at[pl.ds(b0, RPW)])

    return sc_gather


@functools.lru_cache(maxsize=None)
def _sc_scatter_kernel():
    mesh = plsc.VectorSubcoreMesh(core_axis_name="c", subcore_axis_name="s")

    @functools.partial(
        pl.kernel,
        mesh=mesh,
        out_type=jax.ShapeDtypeStruct((T, HG), jnp.float32),
        scratch_types=[
            pltpu.VMEM((RPW,), jnp.int32),
            pltpu.VMEM((RPW, HG), jnp.float32),
            pltpu.SemaphoreType.DMA,
        ],
    )
    def sc_scatter(x_hbm, pos_hbm, out_hbm, idx_v, rows_v, sem):
        wid = lax.axis_index("s") * NC + lax.axis_index("c")
        b0 = wid * RPW
        pltpu.sync_copy(pos_hbm.at[pl.ds(b0, RPW)], idx_v)
        pltpu.sync_copy(x_hbm.at[pl.ds(b0, RPW)], rows_v)
        pltpu.async_copy(rows_v, out_hbm.at[idx_v], sem).wait()

    return sc_scatter


def _ffn_body(off_ref, cnt_ref, xs_ref, w1_ref, w2_ref, out_ref):
    e = pl.program_id(0)

    @pl.when(e == 0)
    def _init():
        out_ref[...] = jnp.zeros((T, H), jnp.float32)

    start = off_ref[e]
    cnt = cnt_ref[e]
    astart = pl.multiple_of((start // 8) * 8, 8)
    nb = jnp.where(cnt > 0, (start - astart + cnt + RB - 1) // RB, 0)

    def body(j, carry):
        b = astart + j * RB
        bc = pl.multiple_of(jnp.minimum(b, T - RB), 8)
        xb = xs_ref[pl.ds(bc, RB), :H]
        h = jax.nn.gelu(jnp.dot(xb, w1_ref[0], preferred_element_type=jnp.float32))
        y = jnp.dot(h, w2_ref[0], preferred_element_type=jnp.float32)
        g = xs_ref[pl.ds(bc, RB), H:H + 1]
        row = bc + lax.broadcasted_iota(jnp.int32, (RB, 1), 0)
        keep = ((row >= jnp.maximum(b, start)) & (row < start + cnt))
        out_ref[pl.ds(bc, RB), :] += (y * g) * keep.astype(jnp.float32)
        return carry

    lax.fori_loop(0, nb, body, 0)


def _ffn(offsets, counts, xs, w1, w2):
    grid_spec = pltpu.PrefetchScalarGridSpec(
        num_scalar_prefetch=2,
        grid=(E,),
        in_specs=[
            pl.BlockSpec((T, HG), lambda e, o, c: (0, 0)),
            pl.BlockSpec((1, H, F), lambda e, o, c: (e, 0, 0)),
            pl.BlockSpec((1, F, H), lambda e, o, c: (e, 0, 0)),
        ],
        out_specs=pl.BlockSpec((T, H), lambda e, o, c: (0, 0)),
    )
    return pl.pallas_call(
        _ffn_body,
        grid_spec=grid_spec,
        out_shape=jax.ShapeDtypeStruct((T, H), jnp.float32),
        compiler_params=pltpu.CompilerParams(
            dimension_semantics=("arbitrary",)),
    )(offsets, counts, xs, w1, w2)


def kernel(hidden_states, Wg, W1, W2):
    orig_shape = hidden_states.shape
    x = hidden_states.reshape(-1, H)
    pos2, xg, off2, cnt2, aux2 = _router(x, Wg)
    pos = pos2.reshape(T)
    xs = _sc_scatter_kernel()(xg, pos)
    ys = _ffn(off2.reshape(E), cnt2.reshape(E), xs, W1, W2)
    out = _sc_gather_kernel(H)(ys, pos)
    return out.reshape(orig_shape), aux2.reshape(())

# --- scband reference (transcript-rebuilt; emitter-appended) ---
"""Pipeline reference for scband-mo-elayer-71528385347981 (READ-ONLY COPY).

The authoritative reference and input builder live on the scoring server;
editing this copy changes nothing except your own understanding.
"""

import jax, jax.numpy as jnp
import numpy as np

NUM_EXPERTS = 64
TOP_K = 1
HIDDEN = 768
INTERMEDIATE = 1536
LB_WEIGHT = 0.01

def setup_inputs(seed: int = 0):
    key = jax.random.key(seed)
    k0, k1, k2, k3 = jax.random.split(key, 4)
    hidden_states = jax.random.normal(k0, (1, 2048, HIDDEN), dtype=jnp.float32)
    Wg = jax.random.normal(k1, (HIDDEN, NUM_EXPERTS), dtype=jnp.float32) * 0.02
    W1 = jax.random.normal(k2, (NUM_EXPERTS, HIDDEN, INTERMEDIATE), dtype=jnp.float32) * 0.02
    W2 = jax.random.normal(k3, (NUM_EXPERTS, INTERMEDIATE, HIDDEN), dtype=jnp.float32) * 0.02
    return {"hidden_states": hidden_states, "Wg": Wg, "W1": W1, "W2": W2}

def reference(hidden_states, Wg, W1, W2):
    orig_shape = hidden_states.shape
    x = hidden_states.reshape(-1, orig_shape[-1])
    T = x.shape[0]
    logits = x @ Wg
    probs = jax.nn.softmax(logits, axis=-1)
    top_vals, top_idx = jax.lax.top_k(probs, TOP_K)
    # Switch-style top-1 gating: gate weight is the raw router probability
    gate_flat = top_vals.reshape(-1)
    expert_ids = top_idx.reshape(-1)
    num_experts = W1.shape[0]

    def body(acc, carry):
        w1, w2, i = carry
        sel = (expert_ids == i).astype(x.dtype) * gate_flat
        expert_out = jax.nn.gelu(x @ w1) @ w2
        return acc + expert_out * sel[:, None], None

    output, _ = jax.lax.scan(
        body,
        jnp.zeros_like(x),
        (W1, W2, jnp.arange(num_experts, dtype=expert_ids.dtype)),
    )
    # load-balancing auxiliary loss: E * sum_i(fraction_dispatched_i * mean_prob_i)
    one_hot = jax.nn.one_hot(top_idx, NUM_EXPERTS, dtype=jnp.float32).sum(axis=1)
    f = one_hot.mean(axis=0)
    P = probs.mean(axis=0)
    aux_loss = NUM_EXPERTS * jnp.sum(f * P) * LB_WEIGHT
    return output.reshape(orig_shape), aux_loss

if __name__ == "__main__":
    import jax
    _d = setup_inputs()
    print(jax.jit(kernel)(*tuple(_d.values())))

</pallas_src>

<mosaic_0001>
#map = affine_map<(d0, d1) -> (0, 0)>
#map1 = affine_map<(d0, d1) -> (0)>
module attributes {stable_mosaic.version = 14 : i64} {
  func.func @sc_scatter(%arg0: i32, %arg1: i32, %arg2: memref<2048x896xf32, #tpu.memory_space<hbm>>, %arg3: memref<2048xi32, #tpu.memory_space<hbm>>, %arg4: memref<2048x896xf32, #tpu.memory_space<hbm>>, %arg5: memref<64xi32, #tpu.memory_space<vmem>>, %arg6: memref<64x896xf32, #tpu.memory_space<vmem>>, %arg7: memref<!tpu.dma_semaphore, #tpu.memory_space<semaphore_mem>>) attributes {dimension_semantics = [#tpu.dimension_semantics<core_parallel>, #tpu.dimension_semantics<subcore_parallel>], iteration_bounds = array<i64: 2, 16>, scalar_prefetch = 0 : i64, scratch_operands = 3 : i64, tpu.core_type = #tpu.core_type<sc_vector_subcore>, window_params = [{transform_indices = #map}, {transform_indices = #map1}, {transform_indices = #map}]} {
    %mul3A = arith.constant 2 : i32
    %mul3A_0 = arith.muli %arg1, %mul3A : i32
    %add3A = arith.addi %mul3A_0, %arg0 : i32
    %mul3A_1 = arith.constant 64 : i32
    %mul3A_2 = arith.muli %add3A, %mul3A_1 : i32
    "tpu.region"() ({
      %run_scoped3A = tpu.sem_alloc : memref<!tpu.dma_semaphore, #tpu.memory_space<semaphore_mem>>
      %dma_start3A_7 = tpu.memref_slice %arg3[%mul3A_2] : memref<2048xi32, #tpu.memory_space<hbm>> -> memref<64xi32, #tpu.memory_space<hbm>>
      %dma_start3A_8 = tpu.memref_slice %arg3[%mul3A_2] : memref<2048xi32, #tpu.memory_space<hbm>> -> memref<64xi32, #tpu.memory_space<hbm>>
      tpu.enqueue_dma source(%dma_start3A_8 : memref<64xi32, #tpu.memory_space<hbm>>) target(%arg5 : memref<64xi32, #tpu.memory_space<vmem>>) target_semaphore(%run_scoped3A : memref<!tpu.dma_semaphore, #tpu.memory_space<semaphore_mem>>)
      %dma_wait3A_9 = tpu.memref_slice %arg3[%mul3A_2] : memref<2048xi32, #tpu.memory_space<hbm>> -> memref<64xi32, #tpu.memory_space<hbm>>
      %dma_wait3A_10 = tpu.memref_slice %arg3[%mul3A_2] : memref<2048xi32, #tpu.memory_space<hbm>> -> memref<64xi32, #tpu.memory_space<hbm>>
      tpu.wait_dma2 semaphore(%run_scoped3A : memref<!tpu.dma_semaphore, #tpu.memory_space<semaphore_mem>>) src(%dma_wait3A_10 : memref<64xi32, #tpu.memory_space<hbm>>) dst(%arg5 : memref<64xi32, #tpu.memory_space<vmem>>)
      tpu.yield
    }) : () -> ()
    "tpu.region"() ({
      %run_scoped3A = tpu.sem_alloc : memref<!tpu.dma_semaphore, #tpu.memory_space<semaphore_mem>>
      %dma_start3A_7 = arith.constant 0 : i32
      %dma_start3A_8 = tpu.memref_slice %arg2[%mul3A_2, %dma_start3A_7] : memref<2048x896xf32, #tpu.memory_space<hbm>> -> memref<64x896xf32, #tpu.memory_space<hbm>>
      %dma_start3A_9 = arith.constant 0 : i32
      %dma_start3A_10 = tpu.memref_slice %arg2[%mul3A_2, %dma_start3A_9] : memref<2048x896xf32, #tpu.memory_space<hbm>> -> memref<64x896xf32, #tpu.memory_space<hbm>>
      tpu.enqueue_dma source(%dma_start3A_10 : memref<64x896xf32, #tpu.memory_space<hbm>>) target(%arg6 : memref<64x896xf32, #tpu.memory_space<vmem>>) target_semaphore(%run_scoped3A : memref<!tpu.dma_semaphore, #tpu.memory_space<semaphore_mem>>)
      %dma_wait3A_11 = arith.constant 0 : i32
      %dma_wait3A_12 = tpu.memref_slice %arg2[%mul3A_2, %dma_wait3A_11] : memref<2048x896xf32, #tpu.memory_space<hbm>> -> memref<64x896xf32, #tpu.memory_space<hbm>>
      %dma_wait3A_13 = arith.constant 0 : i32
      %dma_wait3A_14 = tpu.memref_slice %arg2[%mul3A_2, %dma_wait3A_13] : memref<2048x896xf32, #tpu.memory_space<hbm>> -> memref<64x896xf32, #tpu.memory_space<hbm>>
      tpu.wait_dma2 semaphore(%run_scoped3A : memref<!tpu.dma_semaphore, #tpu.memory_space<semaphore_mem>>) src(%dma_wait3A_14 : memref<64x896xf32, #tpu.memory_space<hbm>>) dst(%arg6 : memref<64x896xf32, #tpu.memory_space<vmem>>)
      tpu.yield
    }) : () -> ()
    %dma_start3A = arith.constant 0 : i32
    %dma_start3A_3 = arith.constant 0 : i32
    %dma_start3A_4 = tpu.memref_slice %arg4[%dma_start3A, %dma_start3A_3] : memref<2048x896xf32, #tpu.memory_space<hbm>> -> memref<2048x896xf32, #tpu.memory_space<hbm>>
    tpu.enqueue_indirect_dma source(%arg6 : memref<64x896xf32, #tpu.memory_space<vmem>>) target(%dma_start3A_4 : memref<2048x896xf32, #tpu.memory_space<hbm>>) offsets(%arg5 : memref<64xi32, #tpu.memory_space<vmem>>) semaphore(%arg7 : memref<!tpu.dma_semaphore, #tpu.memory_space<semaphore_mem>>)
    %dma_wait3A = arith.constant 0 : i32
    %dma_wait3A_5 = arith.constant 0 : i32
    %dma_wait3A_6 = tpu.memref_slice %arg4[%dma_wait3A, %dma_wait3A_5] : memref<2048x896xf32, #tpu.memory_space<hbm>> -> memref<2048x896xf32, #tpu.memory_space<hbm>>
    tpu.wait_indirect_dma semaphore(%arg7 : memref<!tpu.dma_semaphore, #tpu.memory_space<semaphore_mem>>) src(%arg6 : memref<64x896xf32, #tpu.memory_space<vmem>>) dst(%dma_wait3A_6 : memref<2048x896xf32, #tpu.memory_space<hbm>>)
    return
  }
}

#map = affine_map<(d0, d1) -> (0, 0)>
#map1 = affine_map<(d0, d1) -> (0)>
module attributes {stable_mosaic.version = 14 : i64} {
  func.func @sc_gather(%arg0: i32, %arg1: i32, %arg2: memref<2048x768xf32, #tpu.memory_space<hbm>>, %arg3: memref<2048xi32, #tpu.memory_space<hbm>>, %arg4: memref<2048x768xf32, #tpu.memory_space<hbm>>, %arg5: memref<64xi32, #tpu.memory_space<vmem>>, %arg6: memref<64x768xf32, #tpu.memory_space<vmem>>, %arg7: memref<!tpu.dma_semaphore, #tpu.memory_space<semaphore_mem>>) attributes {dimension_semantics = [#tpu.dimension_semantics<core_parallel>, #tpu.dimension_semantics<subcore_parallel>], iteration_bounds = array<i64: 2, 16>, scalar_prefetch = 0 : i64, scratch_operands = 3 : i64, tpu.core_type = #tpu.core_type<sc_vector_subcore>, window_params = [{transform_indices = #map}, {transform_indices = #map1}, {transform_indices = #map}]} {
    %mul3A = arith.constant 2 : i32
    %mul3A_0 = arith.muli %arg1, %mul3A : i32
    %add3A = arith.addi %mul3A_0, %arg0 : i32
    %mul3A_1 = arith.constant 64 : i32
    %mul3A_2 = arith.muli %add3A, %mul3A_1 : i32
    "tpu.region"() ({
      %run_scoped3A = tpu.sem_alloc : memref<!tpu.dma_semaphore, #tpu.memory_space<semaphore_mem>>
      %dma_start3A_7 = tpu.memref_slice %arg3[%mul3A_2] : memref<2048xi32, #tpu.memory_space<hbm>> -> memref<64xi32, #tpu.memory_space<hbm>>
      %dma_start3A_8 = tpu.memref_slice %arg3[%mul3A_2] : memref<2048xi32, #tpu.memory_space<hbm>> -> memref<64xi32, #tpu.memory_space<hbm>>
      tpu.enqueue_dma source(%dma_start3A_8 : memref<64xi32, #tpu.memory_space<hbm>>) target(%arg5 : memref<64xi32, #tpu.memory_space<vmem>>) target_semaphore(%run_scoped3A : memref<!tpu.dma_semaphore, #tpu.memory_space<semaphore_mem>>)
      %dma_wait3A_9 = tpu.memref_slice %arg3[%mul3A_2] : memref<2048xi32, #tpu.memory_space<hbm>> -> memref<64xi32, #tpu.memory_space<hbm>>
      %dma_wait3A_10 = tpu.memref_slice %arg3[%mul3A_2] : memref<2048xi32, #tpu.memory_space<hbm>> -> memref<64xi32, #tpu.memory_space<hbm>>
      tpu.wait_dma2 semaphore(%run_scoped3A : memref<!tpu.dma_semaphore, #tpu.memory_space<semaphore_mem>>) src(%dma_wait3A_10 : memref<64xi32, #tpu.memory_space<hbm>>) dst(%arg5 : memref<64xi32, #tpu.memory_space<vmem>>)
      tpu.yield
    }) : () -> ()
    %dma_start3A = arith.constant 0 : i32
    %dma_start3A_3 = arith.constant 0 : i32
    %dma_start3A_4 = tpu.memref_slice %arg2[%dma_start3A, %dma_start3A_3] : memref<2048x768xf32, #tpu.memory_space<hbm>> -> memref<2048x768xf32, #tpu.memory_space<hbm>>
    tpu.enqueue_indirect_dma source(%dma_start3A_4 : memref<2048x768xf32, #tpu.memory_space<hbm>>) target(%arg6 : memref<64x768xf32, #tpu.memory_space<vmem>>) offsets(%arg5 : memref<64xi32, #tpu.memory_space<vmem>>) semaphore(%arg7 : memref<!tpu.dma_semaphore, #tpu.memory_space<semaphore_mem>>)
    %dma_wait3A = arith.constant 0 : i32
    %dma_wait3A_5 = arith.constant 0 : i32
    %dma_wait3A_6 = tpu.memref_slice %arg2[%dma_wait3A, %dma_wait3A_5] : memref<2048x768xf32, #tpu.memory_space<hbm>> -> memref<2048x768xf32, #tpu.memory_space<hbm>>
    tpu.wait_indirect_dma semaphore(%arg7 : memref<!tpu.dma_semaphore, #tpu.memory_space<semaphore_mem>>) src(%dma_wait3A_6 : memref<2048x768xf32, #tpu.memory_space<hbm>>) dst(%arg6 : memref<64x768xf32, #tpu.memory_space<vmem>>)
    "tpu.region"() ({
      %run_scoped3A = tpu.sem_alloc : memref<!tpu.dma_semaphore, #tpu.memory_space<semaphore_mem>>
      %dma_start3A_7 = arith.constant 0 : i32
      %dma_start3A_8 = tpu.memref_slice %arg4[%mul3A_2, %dma_start3A_7] : memref<2048x768xf32, #tpu.memory_space<hbm>> -> memref<64x768xf32, #tpu.memory_space<hbm>>
      %dma_start3A_9 = arith.constant 0 : i32
      %dma_start3A_10 = tpu.memref_slice %arg4[%mul3A_2, %dma_start3A_9] : memref<2048x768xf32, #tpu.memory_space<hbm>> -> memref<64x768xf32, #tpu.memory_space<hbm>>
      tpu.enqueue_dma source(%arg6 : memref<64x768xf32, #tpu.memory_space<vmem>>) target(%dma_start3A_10 : memref<64x768xf32, #tpu.memory_space<hbm>>) target_semaphore(%run_scoped3A : memref<!tpu.dma_semaphore, #tpu.memory_space<semaphore_mem>>)
      %dma_wait3A_11 = arith.constant 0 : i32
      %dma_wait3A_12 = tpu.memref_slice %arg4[%mul3A_2, %dma_wait3A_11] : memref<2048x768xf32, #tpu.memory_space<hbm>> -> memref<64x768xf32, #tpu.memory_space<hbm>>
      %dma_wait3A_13 = arith.constant 0 : i32
      %dma_wait3A_14 = tpu.memref_slice %arg4[%mul3A_2, %dma_wait3A_13] : memref<2048x768xf32, #tpu.memory_space<hbm>> -> memref<64x768xf32, #tpu.memory_space<hbm>>
      tpu.wait_dma2 semaphore(%run_scoped3A : memref<!tpu.dma_semaphore, #tpu.memory_space<semaphore_mem>>) src(%arg6 : memref<64x768xf32, #tpu.memory_space<vmem>>) dst(%dma_wait3A_14 : memref<64x768xf32, #tpu.memory_space<hbm>>)
      tpu.yield
    }) : () -> ()
    return
  }
}

module attributes {stable_mosaic.version = 14 : i64} {
  func.func @_router_body(%arg0: memref<2048x768xf32, #tpu.memory_space<vmem>>, %arg1: memref<768x64xf32, #tpu.memory_space<vmem>>, %arg2: memref<2048x1xi32, #tpu.memory_space<vmem>>, %arg3: memref<2048x896xf32, #tpu.memory_space<vmem>>, %arg4: memref<1x64xi32, #tpu.memory_space<vmem>>, %arg5: memref<1x64xi32, #tpu.memory_space<vmem>>, %arg6: memref<1x1xf32, #tpu.memory_space<vmem>>) attributes {dimension_semantics = [], scalar_prefetch = 0 : i64, scratch_operands = 0 : i64, tpu.core_type = #tpu.core_type<tc>} {
    %get3A = arith.constant 0 : index
    %get3A_0 = arith.constant 0 : index
    %get3A_1 = vector.load %arg0[%get3A, %get3A_0] : memref<2048x768xf32, #tpu.memory_space<vmem>>, vector<2048x768xf32>
    %get3A_2 = arith.constant 0 : index
    %get3A_3 = arith.constant 0 : index
    %get3A_4 = vector.load %arg1[%get3A_2, %get3A_3] : memref<768x64xf32, #tpu.memory_space<vmem>>, vector<768x64xf32>
    %dot_general3A = arith.constant dense<0.000000e+00> : vector<2048x64xf32>
    %dot_general3A_5 = tpu.matmul %get3A_1, %get3A_4, %dot_general3A {dimension_numbers = #tpu.dot_dimension_numbers<[1], [0], [0], [1], [0, 0, 1, 1], [], []>, transpose_lhs_hint = false} : vector<2048x768xf32>, vector<768x64xf32>, vector<2048x64xf32> -> vector<2048x64xf32>
    %reduce_max3A = arith.constant dense<0xFF800000> : vector<2048xf32>
    %reduce_max3A_6 = vector.multi_reduction <maximumf>, %dot_general3A_5, %reduce_max3A [1] : vector<2048x64xf32> to vector<2048xf32>
    %broadcast_in_dim3A = vector.shape_cast %reduce_max3A_6 : vector<2048xf32> to vector<2048x1xf32>
    %sub3A = vector.broadcast %broadcast_in_dim3A : vector<2048x1xf32> to vector<2048x64xf32>
    %sub3A_7 = arith.subf %dot_general3A_5, %sub3A : vector<2048x64xf32>
    %exp3A = math.exp %sub3A_7 : vector<2048x64xf32>
    %reduce_sum3A = arith.constant dense<0.000000e+00> : vector<2048xf32>
    %reduce_sum3A_8 = vector.multi_reduction <add>, %exp3A, %reduce_sum3A [1] : vector<2048x64xf32> to vector<2048xf32>
    %broadcast_in_dim3A_9 = vector.shape_cast %reduce_sum3A_8 : vector<2048xf32> to vector<2048x1xf32>
    %div3A = vector.broadcast %broadcast_in_dim3A_9 : vector<2048x1xf32> to vector<2048x64xf32>
    %div3A_10 = arith.divf %exp3A, %div3A : vector<2048x64xf32>
    %reduce_max3A_11 = arith.constant dense<0xFF800000> : vector<2048xf32>
    %reduce_max3A_12 = vector.multi_reduction <maximumf>, %div3A_10, %reduce_max3A_11 [1] : vector<2048x64xf32> to vector<2048xf32>
    %broadcast_in_dim3A_13 = vector.shape_cast %reduce_max3A_12 : vector<2048xf32> to vector<2048x1xf32>
    %iota3A = tpu.iota {dimensions = array<i32: 1>} : vector<2048x64xi32>
    %eq3A = vector.broadcast %broadcast_in_dim3A_13 : vector<2048x1xf32> to vector<2048x64xf32>
    %eq3A_14 = arith.cmpf oeq, %div3A_10, %eq3A : vector<2048x64xf32>
    %jit3A = arith.constant 64 : i32
    %broadcast_in_dim3A_15 = vector.broadcast %jit3A : i32 to vector<2048x64xi32>
    %select_n3A = arith.select %eq3A_14, %iota3A, %broadcast_in_dim3A_15 : vector<2048x64xi1>, vector<2048x64xi32>
    %reduce_min3A = arith.constant dense<2147483647> : vector<2048xi32>
    %reduce_min3A_16 = vector.multi_reduction <minsi>, %select_n3A, %reduce_min3A [1] : vector<2048x64xi32> to vector<2048xi32>
    %broadcast_in_dim3A_17 = vector.shape_cast %reduce_min3A_16 : vector<2048xi32> to vector<2048x1xi32>
    %eq3A_18 = vector.broadcast %broadcast_in_dim3A_17 : vector<2048x1xi32> to vector<2048x64xi32>
    %eq3A_19 = arith.cmpi eq, %iota3A, %eq3A_18 : vector<2048x64xi32>
    %convert_element_type3A = arith.extui %eq3A_19 : vector<2048x64xi1> to vector<2048x64xi32>
    %convert_element_type3A_20 = arith.sitofp %convert_element_type3A : vector<2048x64xi32> to vector<2048x64xf32>
    %iota3A_21 = tpu.iota {dimensions = array<i32: 0>} : vector<512x512xi32>
    %iota3A_22 = tpu.iota {dimensions = array<i32: 1>} : vector<512x512xi32>
    %gt3A = arith.cmpi sgt, %iota3A_21, %iota3A_22 : vector<512x512xi32>
    %convert_element_type3A_23 = arith.extui %gt3A : vector<512x512xi1> to vector<512x512xi32>
    %convert_element_type3A_24 = arith.sitofp %convert_element_type3A_23 : vector<512x512xi32> to vector<512x512xf32>
    %broadcast_in_dim3A_25 = arith.constant 0.000000e+00 : f32
    %broadcast_in_dim3A_26 = vector.broadcast %broadcast_in_dim3A_25 : f32 to vector<1x64xf32>
    %slice3A = vector.extract_strided_slice %convert_element_type3A_20 {offsets = [0, 0], sizes = [512, 64], strides = [1, 1]} : vector<2048x64xf32> to vector<512x64xf32>
    %dot_general3A_27 = arith.constant dense<0.000000e+00> : vector<512x64xf32>
    %dot_general3A_28 = tpu.matmul %convert_element_type3A_24, %slice3A, %dot_general3A_27 {dimension_numbers = #tpu.dot_dimension_numbers<[1], [0], [0], [1], [0, 0, 1, 1], [], []>, transpose_lhs_hint = false} : vector<512x512xf32>, vector<512x64xf32>, vector<512x64xf32> -> vector<512x64xf32>
    %add3A = vector.broadcast %broadcast_in_dim3A_26 : vector<1x64xf32> to vector<512x64xf32>
    %add3A_29 = arith.addf %dot_general3A_28, %add3A : vector<512x64xf32>
    %mul3A = arith.mulf %add3A_29, %slice3A : vector<512x64xf32>
    %reduce_sum3A_30 = arith.constant dense<0.000000e+00> : vector<512xf32>
    %reduce_sum3A_31 = vector.multi_reduction <add>, %mul3A, %reduce_sum3A_30 [1] : vector<512x64xf32> to vector<512xf32>
    %broadcast_in_dim3A_32 = vector.shape_cast %reduce_sum3A_31 : vector<512xf32> to vector<512x1xf32>
    %convert_element_type3A_33 = arith.fptosi %broadcast_in_dim3A_32 : vector<512x1xf32> to vector<512x1xi32>
    %swap3A = arith.constant 0 : index
    %swap3A_34 = arith.constant 0 : index
    %swap3A_35 = vector.load %arg2[%swap3A, %swap3A_34] : memref<2048x1xi32, #tpu.memory_space<vmem>>, vector<512x1xi32>
    tpu.vector_store %arg2[%swap3A, %swap3A_34], %convert_element_type3A_33 {strides = array<i32>} : memref<2048x1xi32, #tpu.memory_space<vmem>>, vector<512x1xi32>,
    %reduce_sum3A_36 = arith.constant dense<0.000000e+00> : vector<64xf32>
    %reduce_sum3A_37 = vector.multi_reduction <add>, %slice3A, %reduce_sum3A_36 [0] : vector<512x64xf32> to vector<64xf32>
    %broadcast_in_dim3A_38 = vector.shape_cast %reduce_sum3A_37 : vector<64xf32> to vector<1x64xf32>
    %add3A_39 = arith.addf %broadcast_in_dim3A_26, %broadcast_in_dim3A_38 : vector<1x64xf32>
    %slice3A_40 = vector.extract_strided_slice %convert_element_type3A_20 {offsets = [512, 0], sizes = [512, 64], strides = [1, 1]} : vector<2048x64xf32> to vector<512x64xf32>
    %dot_general3A_41 = arith.constant dense<0.000000e+00> : vector<512x64xf32>
    %dot_general3A_42 = tpu.matmul %convert_element_type3A_24, %slice3A_40, %dot_general3A_41 {dimension_numbers = #tpu.dot_dimension_numbers<[1], [0], [0], [1], [0, 0, 1, 1], [], []>, transpose_lhs_hint = false} : vector<512x512xf32>, vector<512x64xf32>, vector<512x64xf32> -> vector<512x64xf32>
    %add3A_43 = vector.broadcast %add3A_39 : vector<1x64xf32> to vector<512x64xf32>
    %add3A_44 = arith.addf %dot_general3A_42, %add3A_43 : vector<512x64xf32>
    %mul3A_45 = arith.mulf %add3A_44, %slice3A_40 : vector<512x64xf32>
    %reduce_sum3A_46 = arith.constant dense<0.000000e+00> : vector<512xf32>
    %reduce_sum3A_47 = vector.multi_reduction <add>, %mul3A_45, %reduce_sum3A_46 [1] : vector<512x64xf32> to vector<512xf32>
    %broadcast_in_dim3A_48 = vector.shape_cast %reduce_sum3A_47 : vector<512xf32> to vector<512x1xf32>
    %convert_element_type3A_49 = arith.fptosi %broadcast_in_dim3A_48 : vector<512x1xf32> to vector<512x1xi32>
    %swap3A_50 = arith.constant 512 : index
    %swap3A_51 = arith.constant 0 : index
    %swap3A_52 = vector.load %arg2[%swap3A_50, %swap3A_51] : memref<2048x1xi32, #tpu.memory_space<vmem>>, vector<512x1xi32>
    tpu.vector_store %arg2[%swap3A_50, %swap3A_51], %convert_element_type3A_49 {strides = array<i32>} : memref<2048x1xi32, #tpu.memory_space<vmem>>, vector<512x1xi32>,
    %reduce_sum3A_53 = arith.constant dense<0.000000e+00> : vector<64xf32>
    %reduce_sum3A_54 = vector.multi_reduction <add>, %slice3A_40, %reduce_sum3A_53 [0] : vector<512x64xf32> to vector<64xf32>
    %broadcast_in_dim3A_55 = vector.shape_cast %reduce_sum3A_54 : vector<64xf32> to vector<1x64xf32>
    %add3A_56 = arith.addf %add3A_39, %broadcast_in_dim3A_55 : vector<1x64xf32>
    %slice3A_57 = vector.extract_strided_slice %convert_element_type3A_20 {offsets = [1024, 0], sizes = [512, 64], strides = [1, 1]} : vector<2048x64xf32> to vector<512x64xf32>
    %dot_general3A_58 = arith.constant dense<0.000000e+00> : vector<512x64xf32>
    %dot_general3A_59 = tpu.matmul %convert_element_type3A_24, %slice3A_57, %dot_general3A_58 {dimension_numbers = #tpu.dot_dimension_numbers<[1], [0], [0], [1], [0, 0, 1, 1], [], []>, transpose_lhs_hint = false} : vector<512x512xf32>, vector<512x64xf32>, vector<512x64xf32> -> vector<512x64xf32>
    %add3A_60 = vector.broadcast %add3A_56 : vector<1x64xf32> to vector<512x64xf32>
    %add3A_61 = arith.addf %dot_general3A_59, %add3A_60 : vector<512x64xf32>
    %mul3A_62 = arith.mulf %add3A_61, %slice3A_57 : vector<512x64xf32>
    %reduce_sum3A_63 = arith.constant dense<0.000000e+00> : vector<512xf32>
    %reduce_sum3A_64 = vector.multi_reduction <add>, %mul3A_62, %reduce_sum3A_63 [1] : vector<512x64xf32> to vector<512xf32>
    %broadcast_in_dim3A_65 = vector.shape_cast %reduce_sum3A_64 : vector<512xf32> to vector<512x1xf32>
    %convert_element_type3A_66 = arith.fptosi %broadcast_in_dim3A_65 : vector<512x1xf32> to vector<512x1xi32>
    %swap3A_67 = arith.constant 1024 : index
    %swap3A_68 = arith.constant 0 : index
    %swap3A_69 = vector.load %arg2[%swap3A_67, %swap3A_68] : memref<2048x1xi32, #tpu.memory_space<vmem>>, vector<512x1xi32>
    tpu.vector_store %arg2[%swap3A_67, %swap3A_68], %convert_element_type3A_66 {strides = array<i32>} : memref<2048x1xi32, #tpu.memory_space<vmem>>, vector<512x1xi32>,
    %reduce_sum3A_70 = arith.constant dense<0.000000e+00> : vector<64xf32>
    %reduce_sum3A_71 = vector.multi_reduction <add>, %slice3A_57, %reduce_sum3A_70 [0] : vector<512x64xf32> to vector<64xf32>
    %broadcast_in_dim3A_72 = vector.shape_cast %reduce_sum3A_71 : vector<64xf32> to vector<1x64xf32>
    %add3A_73 = arith.addf %add3A_56, %broadcast_in_dim3A_72 : vector<1x64xf32>
    %slice3A_74 = vector.extract_strided_slice %convert_element_type3A_20 {offsets = [1536, 0], sizes = [512, 64], strides = [1, 1]} : vector<2048x64xf32> to vector<512x64xf32>
    %dot_general3A_75 = arith.constant dense<0.000000e+00> : vector<512x64xf32>
    %dot_general3A_76 = tpu.matmul %convert_element_type3A_24, %slice3A_74, %dot_general3A_75 {dimension_numbers = #tpu.dot_dimension_numbers<[1], [0], [0], [1], [0, 0, 1, 1], [], []>, transpose_lhs_hint = false} : vector<512x512xf32>, vector<512x64xf32>, vector<512x64xf32> -> vector<512x64xf32>
    %add3A_77 = vector.broadcast %add3A_73 : vector<1x64xf32> to vector<512x64xf32>
    %add3A_78 = arith.addf %dot_general3A_76, %add3A_77 : vector<512x64xf32>
    %mul3A_79 = arith.mulf %add3A_78, %slice3A_74 : vector<512x64xf32>
    %reduce_sum3A_80 = arith.constant dense<0.000000e+00> : vector<512xf32>
    %reduce_sum3A_81 = vector.multi_reduction <add>, %mul3A_79, %reduce_sum3A_80 [1] : vector<512x64xf32> to vector<512xf32>
    %broadcast_in_dim3A_82 = vector.shape_cast %reduce_sum3A_81 : vector<512xf32> to vector<512x1xf32>
    %convert_element_type3A_83 = arith.fptosi %broadcast_in_dim3A_82 : vector<512x1xf32> to vector<512x1xi32>
    %swap3A_84 = arith.constant 1536 : index
    %swap3A_85 = arith.constant 0 : index
    %swap3A_86 = vector.load %arg2[%swap3A_84, %swap3A_85] : memref<2048x1xi32, #tpu.memory_space<vmem>>, vector<512x1xi32>
    tpu.vector_store %arg2[%swap3A_84, %swap3A_85], %convert_element_type3A_83 {strides = array<i32>} : memref<2048x1xi32, #tpu.memory_space<vmem>>, vector<512x1xi32>,
    %reduce_sum3A_87 = arith.constant dense<0.000000e+00> : vector<64xf32>
    %reduce_sum3A_88 = vector.multi_reduction <add>, %slice3A_74, %reduce_sum3A_87 [0] : vector<512x64xf32> to vector<64xf32>
    %broadcast_in_dim3A_89 = vector.shape_cast %reduce_sum3A_88 : vector<64xf32> to vector<1x64xf32>
    %add3A_90 = arith.addf %add3A_73, %broadcast_in_dim3A_89 : vector<1x64xf32>
    %lt3A = vector.broadcast %broadcast_in_dim3A_17 : vector<2048x1xi32> to vector<2048x64xi32>
    %lt3A_91 = arith.cmpi slt, %lt3A, %iota3A : vector<2048x64xi32>
    %convert_element_type3A_92 = arith.extui %lt3A_91 : vector<2048x64xi1> to vector<2048x64xi32>
    %convert_element_type3A_93 = arith.sitofp %convert_element_type3A_92 : vector<2048x64xi32> to vector<2048x64xf32>
    %reduce_sum3A_94 = arith.constant dense<0.000000e+00> : vector<64xf32>
    %reduce_sum3A_95 = vector.multi_reduction <add>, %convert_element_type3A_93, %reduce_sum3A_94 [0] : vector<2048x64xf32> to vector<64xf32>
    %broadcast_in_dim3A_96 = vector.shape_cast %reduce_sum3A_95 : vector<64xf32> to vector<1x64xf32>
    %mul3A_97 = vector.broadcast %broadcast_in_dim3A_96 : vector<1x64xf32> to vector<2048x64xf32>
    %mul3A_98 = arith.mulf %convert_element_type3A_20, %mul3A_97 : vector<2048x64xf32>
    %reduce_sum3A_99 = arith.constant dense<0.000000e+00> : vector<2048xf32>
    %reduce_sum3A_100 = vector.multi_reduction <add>, %mul3A_98, %reduce_sum3A_99 [1] : vector<2048x64xf32> to vector<2048xf32>
    %broadcast_in_dim3A_101 = vector.shape_cast %reduce_sum3A_100 : vector<2048xf32> to vector<2048x1xf32>
    %get3A_102 = arith.constant 0 : index
    %get3A_103 = arith.constant 0 : index
    %get3A_104 = vector.load %arg2[%get3A_102, %get3A_103] : memref<2048x1xi32, #tpu.memory_space<vmem>>, vector<2048x1xi32>
    %convert_element_type3A_105 = arith.fptosi %broadcast_in_dim3A_101 : vector<2048x1xf32> to vector<2048x1xi32>
    %add3A_106 = arith.addi %get3A_104, %convert_element_type3A_105 : vector<2048x1xi32>
    %swap3A_107 = arith.constant 0 : index
    %swap3A_108 = arith.constant 0 : index
    %swap3A_109 = vector.load %arg2[%swap3A_107, %swap3A_108] : memref<2048x1xi32, #tpu.memory_space<vmem>>, vector<2048x1xi32>
    tpu.vector_store %arg2[%swap3A_107, %swap3A_108], %add3A_106 {strides = array<i32>} : memref<2048x1xi32, #tpu.memory_space<vmem>>, vector<2048x1xi32>,
    %swap3A_110 = arith.constant 0 : index
    %swap3A_111 = arith.constant 0 : index
    %swap3A_112 = vector.load %arg3[%swap3A_110, %swap3A_111] : memref<2048x896xf32, #tpu.memory_space<vmem>>, vector<2048x768xf32>
    tpu.vector_store %arg3[%swap3A_110, %swap3A_111], %get3A_1 {strides = array<i32>} : memref<2048x896xf32, #tpu.memory_space<vmem>>, vector<2048x768xf32>,
    %broadcast_in_dim3A_113 = vector.shape_cast %broadcast_in_dim3A_13 : vector<2048x1xf32> to vector<2048x1xf32>
    %broadcast_in_dim3A_114 = vector.broadcast %broadcast_in_dim3A_113 : vector<2048x1xf32> to vector<2048x128xf32>
    %swap3A_115 = arith.constant 0 : index
    %swap3A_116 = arith.constant 768 : index
    %swap3A_117 = vector.load %arg3[%swap3A_115, %swap3A_116] : memref<2048x896xf32, #tpu.memory_space<vmem>>, vector<2048x128xf32>
    tpu.vector_store %arg3[%swap3A_115, %swap3A_116], %broadcast_in_dim3A_114 {strides = array<i32>} : memref<2048x896xf32, #tpu.memory_space<vmem>>, vector<2048x128xf32>,
    %convert_element_type3A_118 = arith.fptosi %broadcast_in_dim3A_96 : vector<1x64xf32> to vector<1x64xi32>
    %swap3A_119 = arith.constant 0 : index
    %swap3A_120 = arith.constant 0 : index
    %swap3A_121 = vector.load %arg4[%swap3A_119, %swap3A_120] : memref<1x64xi32, #tpu.memory_space<vmem>>, vector<1x64xi32>
    tpu.vector_store %arg4[%swap3A_119, %swap3A_120], %convert_element_type3A_118 {strides = array<i32>} : memref<1x64xi32, #tpu.memory_space<vmem>>, vector<1x64xi32>,
    %convert_element_type3A_122 = arith.fptosi %add3A_90 : vector<1x64xf32> to vector<1x64xi32>
    %swap3A_123 = arith.constant 0 : index
    %swap3A_124 = arith.constant 0 : index
    %swap3A_125 = vector.load %arg5[%swap3A_123, %swap3A_124] : memref<1x64xi32, #tpu.memory_space<vmem>>, vector<1x64xi32>
    tpu.vector_store %arg5[%swap3A_123, %swap3A_124], %convert_element_type3A_122 {strides = array<i32>} : memref<1x64xi32, #tpu.memory_space<vmem>>, vector<1x64xi32>,
    %reduce_sum3A_126 = arith.constant dense<0.000000e+00> : vector<64xf32>
    %reduce_sum3A_127 = vector.multi_reduction <add>, %div3A_10, %reduce_sum3A_126 [0] : vector<2048x64xf32> to vector<64xf32>
    %broadcast_in_dim3A_128 = vector.shape_cast %reduce_sum3A_127 : vector<64xf32> to vector<1x64xf32>
    %div3A_129 = arith.constant 2.048000e+03 : f32
    %div3A_130 = vector.broadcast %div3A_129 : f32 to vector<1x64xf32>
    %div3A_131 = arith.divf %broadcast_in_dim3A_128, %div3A_130 : vector<1x64xf32>
    %div3A_132 = arith.constant 2.048000e+03 : f32
    %div3A_133 = vector.broadcast %div3A_132 : f32 to vector<1x64xf32>
    %div3A_134 = arith.divf %add3A_90, %div3A_133 : vector<1x64xf32>
    %mul3A_135 = arith.mulf %div3A_134, %div3A_131 : vector<1x64xf32>
    %reduce_sum3A_136 = vector.shape_cast %mul3A_135 : vector<1x64xf32> to vector<1x1x64xf32>
    %reduce_sum3A_137 = arith.constant dense<0.000000e+00> : vector<1xf32>
    %reduce_sum3A_138 = vector.multi_reduction <add>, %reduce_sum3A_136, %reduce_sum3A_137 [1, 2] : vector<1x1x64xf32> to vector<1xf32>
    %reduce_sum3A_139 = vector.shape_cast %reduce_sum3A_138 : vector<1xf32> to vector<1x1x1xf32>
    %reduce_sum3A_140 = vector.extract %reduce_sum3A_139[0, 0, 0] : f32 from vector<1x1x1xf32>
    %broadcast_in_dim3A_141 = vector.broadcast %reduce_sum3A_140 : f32 to vector<1x1xf32>
    %mul3A_142 = arith.constant 6.400000e+01 : f32
    %mul3A_143 = vector.broadcast %mul3A_142 : f32 to vector<1x1xf32>
    %mul3A_144 = arith.mulf %mul3A_143, %broadcast_in_dim3A_141 : vector<1x1xf32>
    %mul3A_145 = arith.constant 0.00999999977 : f32
    %mul3A_146 = vector.broadcast %mul3A_145 : f32 to vector<1x1xf32>
    %mul3A_147 = arith.mulf %mul3A_144, %mul3A_146 : vector<1x1xf32>
    %swap3A_148 = arith.constant 0 : index
    %swap3A_149 = arith.constant 0 : index
    %swap3A_150 = vector.load %arg6[%swap3A_148, %swap3A_149] : memref<1x1xf32, #tpu.memory_space<vmem>>, vector<1x1xf32>
    tpu.vector_store %arg6[%swap3A_148, %swap3A_149], %mul3A_147 {strides = array<i32>} : memref<1x1xf32, #tpu.memory_space<vmem>>, vector<1x1xf32>,
    return
  }
}

module attributes {stable_mosaic.version = 14 : i64} {
  func.func @_ffn_body(%arg0: i32, %arg1: memref<64xi32, #tpu.memory_space<smem>>, %arg2: memref<64xi32, #tpu.memory_space<smem>>, %arg3: memref<2048x896xf32, #tpu.memory_space<vmem>>, %arg4: memref<1x768x1536xf32, #tpu.memory_space<vmem>>, %arg5: memref<1x1536x768xf32, #tpu.memory_space<vmem>>, %arg6: memref<2048x768xf32, #tpu.memory_space<vmem>>) attributes {dimension_semantics = [#tpu.dimension_semantics<arbitrary>], iteration_bounds = array<i64: 64>, scalar_prefetch = 2 : i64, scratch_operands = 0 : i64, tpu.core_type = #tpu.core_type<tc>, window_params = [{pipeline_mode = #tpu.pipeline_mode<synchronous>, transform_indices = @transform_0, window_bounds = array<i64: 2048, 896>}, {transform_indices = @transform_1, window_bounds = array<i64: 1, 768, 1536>}, {transform_indices = @transform_2, window_bounds = array<i64: 1, 1536, 768>}, {pipeline_mode = #tpu.pipeline_mode<synchronous>, transform_indices = @transform_3, window_bounds = array<i64: 2048, 768>}]} {
    %eq3A = arith.constant 0 : i32
    %eq3A_0 = arith.cmpi eq, %arg0, %eq3A : i32
    %convert_element_type3A = arith.extui %eq3A_0 : i1 to i32
    %cond3A = arith.constant 0 : i32
    %cond3A_1 = arith.cmpi ne, %convert_element_type3A, %cond3A : i32
    scf.if %cond3A_1 {
      %broadcast_in_dim3A = arith.constant 0.000000e+00 : f32
      %broadcast_in_dim3A_63 = vector.broadcast %broadcast_in_dim3A : f32 to vector<2048x768xf32>
      %swap3A = arith.constant 0 : index
      %swap3A_64 = arith.constant 0 : index
      %swap3A_65 = vector.load %arg6[%swap3A, %swap3A_64] : memref<2048x768xf32, #tpu.memory_space<vmem>>, vector<2048x768xf32>
      tpu.vector_store %arg6[%swap3A, %swap3A_64], %broadcast_in_dim3A_63 {strides = array<i32>} : memref<2048x768xf32, #tpu.memory_space<vmem>>, vector<2048x768xf32>,
    } else {
    }
    %get3A = arith.index_cast %arg0 : i32 to index
    %get3A_2 = memref.load %arg1[%get3A] : memref<64xi32, #tpu.memory_space<smem>>
    %get3A_3 = arith.index_cast %arg0 : i32 to index
    %get3A_4 = memref.load %arg2[%get3A_3] : memref<64xi32, #tpu.memory_space<smem>>
    %jit3A = arith.constant 8 : i32
    %div3A = arith.divsi %get3A_2, %jit3A : i32
    %sign3A = arith.constant 0 : i32
    %sign3A_5 = arith.cmpi sgt, %get3A_2, %sign3A : i32
    %sign3A_6 = arith.extui %sign3A_5 : i1 to i32
    %sign3A_7 = arith.constant 0 : i32
    %sign3A_8 = arith.cmpi slt, %get3A_2, %sign3A_7 : i32
    %sign3A_9 = arith.extui %sign3A_8 : i1 to i32
    %sign3A_10 = arith.subi %sign3A_6, %sign3A_9 : i32
    %sign3A_11 = arith.constant 0 : i32
    %sign3A_12 = arith.cmpi sgt, %jit3A, %sign3A_11 : i32
    %sign3A_13 = arith.extui %sign3A_12 : i1 to i32
    %sign3A_14 = arith.constant 0 : i32
    %sign3A_15 = arith.cmpi slt, %jit3A, %sign3A_14 : i32
    %sign3A_16 = arith.extui %sign3A_15 : i1 to i32
    %sign3A_17 = arith.subi %sign3A_13, %sign3A_16 : i32
    %ne3A = arith.cmpi ne, %sign3A_10, %sign3A_17 : i32
    %rem3A = arith.remsi %get3A_2, %jit3A : i32
    %ne3A_18 = arith.constant 0 : i32
    %ne3A_19 = arith.cmpi ne, %rem3A, %ne3A_18 : i32
    %and3A = arith.andi %ne3A, %ne3A_19 : i1
    %sub3A = arith.constant 1 : i32
    %sub3A_20 = arith.subi %div3A, %sub3A : i32
    %select_n3A = arith.select %and3A, %sub3A_20, %div3A : i32
    %mul3A = arith.constant 8 : i32
    %mul3A_21 = arith.muli %select_n3A, %mul3A : i32
    %multiple_of3A = tpu.assume_multiple %mul3A_21, 8 : i32
    %gt3A = arith.constant 0 : i32
    %gt3A_22 = arith.cmpi sgt, %get3A_4, %gt3A : i32
    %sub3A_23 = arith.subi %get3A_2, %multiple_of3A : i32
    %add3A = arith.addi %sub3A_23, %get3A_4 : i32
    %add3A_24 = arith.constant 64 : i32
    %add3A_25 = arith.addi %add3A, %add3A_24 : i32
    %sub3A_26 = arith.constant 1 : i32
    %sub3A_27 = arith.subi %add3A_25, %sub3A_26 : i32
    %jit3A_28 = arith.constant 64 : i32
    %div3A_29 = arith.divsi %sub3A_27, %jit3A_28 : i32
    %sign3A_30 = arith.constant 0 : i32
    %sign3A_31 = arith.cmpi sgt, %sub3A_27, %sign3A_30 : i32
    %sign3A_32 = arith.extui %sign3A_31 : i1 to i32
    %sign3A_33 = arith.constant 0 : i32
    %sign3A_34 = arith.cmpi slt, %sub3A_27, %sign3A_33 : i32
    %sign3A_35 = arith.extui %sign3A_34 : i1 to i32
    %sign3A_36 = arith.subi %sign3A_32, %sign3A_35 : i32
    %sign3A_37 = arith.constant 0 : i32
    %sign3A_38 = arith.cmpi sgt, %jit3A_28, %sign3A_37 : i32
    %sign3A_39 = arith.extui %sign3A_38 : i1 to i32
    %sign3A_40 = arith.constant 0 : i32
    %sign3A_41 = arith.cmpi slt, %jit3A_28, %sign3A_40 : i32
    %sign3A_42 = arith.extui %sign3A_41 : i1 to i32
    %sign3A_43 = arith.subi %sign3A_39, %sign3A_42 : i32
    %ne3A_44 = arith.cmpi ne, %sign3A_36, %sign3A_43 : i32
    %rem3A_45 = arith.remsi %sub3A_27, %jit3A_28 : i32
    %ne3A_46 = arith.constant 0 : i32
    %ne3A_47 = arith.cmpi ne, %rem3A_45, %ne3A_46 : i32
    %and3A_48 = arith.andi %ne3A_44, %ne3A_47 : i1
    %sub3A_49 = arith.constant 1 : i32
    %sub3A_50 = arith.subi %div3A_29, %sub3A_49 : i32
    %select_n3A_51 = arith.select %and3A_48, %sub3A_50, %div3A_29 : i32
    %jit3A_52 = arith.constant 0 : i32
    %select_n3A_53 = arith.select %gt3A_22, %select_n3A_51, %jit3A_52 : i32
    %while3A = arith.constant 0 : i32
    %while3A_54 = arith.constant 0 : i32
    %while3A_55 = arith.subi %select_n3A_53, %while3A_54 : i32
    %while3A_56 = arith.addi %while3A_54, %while3A_55 : i32
    %while3A_57 = arith.constant 1 : i32
    %while3A_58 = arith.divsi %while3A_55, %while3A_57 : i32
    %while3A_59 = arith.muli %while3A_58, %while3A_57 : i32
    %while3A_60 = arith.addi %while3A_54, %while3A_59 : i32
    %while3A_61 = arith.constant 1 : i32
    scf.for %while3A_63 = %while3A_54 to %while3A_60 step %while3A_61  : i32 {
      %mul3A_64 = arith.constant 64 : i32
      %mul3A_65 = arith.muli %while3A_63, %mul3A_64 : i32
      %add3A_66 = arith.addi %multiple_of3A, %mul3A_65 : i32
      %min3A = arith.constant 1984 : i32
      %min3A_67 = arith.minsi %add3A_66, %min3A : i32
      %multiple_of3A_68 = tpu.assume_multiple %min3A_67, 8 : i32
      %get3A_69 = arith.index_cast %multiple_of3A_68 : i32 to index
      %get3A_70 = arith.constant 0 : index
      %get3A_71 = vector.load %arg3[%get3A_69, %get3A_70] : memref<2048x896xf32, #tpu.memory_space<vmem>>, vector<64x768xf32>
      %get3A_72 = arith.constant 0 : index
      %get3A_73 = arith.constant 0 : index
      %get3A_74 = arith.constant 0 : index
      %get3A_75 = vector.load %arg4[%get3A_72, %get3A_73, %get3A_74] : memref<1x768x1536xf32, #tpu.memory_space<vmem>>, vector<1x768x1536xf32>
      %get3A_76 = vector.shape_cast %get3A_75 : vector<1x768x1536xf32> to vector<768x1536xf32>
      %dot_general3A = arith.constant dense<0.000000e+00> : vector<64x1536xf32>
      %dot_general3A_77 = tpu.matmul %get3A_71, %get3A_76, %dot_general3A {dimension_numbers = #tpu.dot_dimension_numbers<[1], [0], [0], [1], [0, 0, 1, 1], [], []>, transpose_lhs_hint = false} : vector<64x768xf32>, vector<768x1536xf32>, vector<64x1536xf32> -> vector<64x1536xf32>
      %integer_pow3A = arith.mulf %dot_general3A_77, %dot_general3A_77 : vector<64x1536xf32>
      %integer_pow3A_78 = arith.mulf %dot_general3A_77, %integer_pow3A : vector<64x1536xf32>
      %mul3A_79 = arith.constant 4.471500e-02 : f32
      %mul3A_80 = vector.broadcast %mul3A_79 : f32 to vector<64x1536xf32>
      %mul3A_81 = arith.mulf %mul3A_80, %integer_pow3A_78 : vector<64x1536xf32>
      %add3A_82 = arith.addf %dot_general3A_77, %mul3A_81 : vector<64x1536xf32>
      %mul3A_83 = arith.constant 0.797884583 : f32
      %mul3A_84 = vector.broadcast %mul3A_83 : f32 to vector<64x1536xf32>
      %mul3A_85 = arith.mulf %mul3A_84, %add3A_82 : vector<64x1536xf32>
      %tanh3A = math.tanh %mul3A_85 : vector<64x1536xf32>
      %add3A_86 = arith.constant 1.000000e+00 : f32
      %add3A_87 = vector.broadcast %add3A_86 : f32 to vector<64x1536xf32>
      %add3A_88 = arith.addf %add3A_87, %tanh3A : vector<64x1536xf32>
      %mul3A_89 = arith.constant 5.000000e-01 : f32
      %mul3A_90 = vector.broadcast %mul3A_89 : f32 to vector<64x1536xf32>
      %mul3A_91 = arith.mulf %mul3A_90, %add3A_88 : vector<64x1536xf32>
      %mul3A_92 = arith.mulf %dot_general3A_77, %mul3A_91 : vector<64x1536xf32>
      %get3A_93 = arith.constant 0 : index
      %get3A_94 = arith.constant 0 : index
      %get3A_95 = arith.constant 0 : index
      %get3A_96 = vector.load %arg5[%get3A_93, %get3A_94, %get3A_95] : memref<1x1536x768xf32, #tpu.memory_space<vmem>>, vector<1x1536x768xf32>
      %get3A_97 = vector.shape_cast %get3A_96 : vector<1x1536x768xf32> to vector<1536x768xf32>
      %dot_general3A_98 = arith.constant dense<0.000000e+00> : vector<64x768xf32>
      %dot_general3A_99 = tpu.matmul %mul3A_92, %get3A_97, %dot_general3A_98 {dimension_numbers = #tpu.dot_dimension_numbers<[1], [0], [0], [1], [0, 0, 1, 1], [], []>, transpose_lhs_hint = false} : vector<64x1536xf32>, vector<1536x768xf32>, vector<64x768xf32> -> vector<64x768xf32>
      %get3A_100 = arith.index_cast %multiple_of3A_68 : i32 to index
      %get3A_101 = arith.constant 768 : index
      %get3A_102 = vector.load %arg3[%get3A_100, %get3A_101] : memref<2048x896xf32, #tpu.memory_space<vmem>>, vector<64x1xf32>
      %iota3A = tpu.iota {dimensions = array<i32: 0>} : vector<64x1xi32>
      %add3A_103 = vector.broadcast %multiple_of3A_68 : i32 to vector<64x1xi32>
      %add3A_104 = arith.addi %add3A_103, %iota3A : vector<64x1xi32>
      %max3A = arith.maxsi %add3A_66, %get3A_2 : i32
      %ge3A = vector.broadcast %max3A : i32 to vector<64x1xi32>
      %ge3A_105 = arith.cmpi sge, %add3A_104, %ge3A : vector<64x1xi32>
      %add3A_106 = arith.addi %get3A_2, %get3A_4 : i32
      %lt3A = vector.broadcast %add3A_106 : i32 to vector<64x1xi32>
      %lt3A_107 = arith.cmpi slt, %add3A_104, %lt3A : vector<64x1xi32>
      %and3A_108 = arith.andi %ge3A_105, %lt3A_107 : vector<64x1xi1>
      %get3A_109 = arith.index_cast %multiple_of3A_68 : i32 to index
      %get3A_110 = arith.constant 0 : index
      %get3A_111 = vector.load %arg6[%get3A_109, %get3A_110] : memref<2048x768xf32, #tpu.memory_space<vmem>>, vector<64x768xf32>
      %mul3A_112 = vector.broadcast %get3A_102 : vector<64x1xf32> to vector<64x768xf32>
      %mul3A_113 = arith.mulf %dot_general3A_99, %mul3A_112 : vector<64x768xf32>
      %convert_element_type3A_114 = arith.extui %and3A_108 : vector<64x1xi1> to vector<64x1xi32>
      %convert_element_type3A_115 = arith.sitofp %convert_element_type3A_114 : vector<64x1xi32> to vector<64x1xf32>
      %mul3A_116 = vector.broadcast %convert_element_type3A_115 : vector<64x1xf32> to vector<64x768xf32>
      %mul3A_117 = arith.mulf %mul3A_113, %mul3A_116 : vector<64x768xf32>
      %add3A_118 = arith.addf %get3A_111, %mul3A_117 : vector<64x768xf32>
      %swap3A = arith.index_cast %multiple_of3A_68 : i32 to index
      %swap3A_119 = arith.constant 0 : index
      %swap3A_120 = vector.load %arg6[%swap3A, %swap3A_119] : memref<2048x768xf32, #tpu.memory_space<vmem>>, vector<64x768xf32>
      tpu.vector_store %arg6[%swap3A, %swap3A_119], %add3A_118 {strides = array<i32>} : memref<2048x768xf32, #tpu.memory_space<vmem>>, vector<64x768xf32>,
    }
    %while3A_62 = arith.constant 1 : i32
    scf.for %while3A_63 = %while3A_60 to %while3A_56 step %while3A_62  : i32 {
      %mul3A_64 = arith.constant 64 : i32
      %mul3A_65 = arith.muli %while3A_63, %mul3A_64 : i32
      %add3A_66 = arith.addi %multiple_of3A, %mul3A_65 : i32
      %min3A = arith.constant 1984 : i32
      %min3A_67 = arith.minsi %add3A_66, %min3A : i32
      %multiple_of3A_68 = tpu.assume_multiple %min3A_67, 8 : i32
      %get3A_69 = arith.index_cast %multiple_of3A_68 : i32 to index
      %get3A_70 = arith.constant 0 : index
      %get3A_71 = vector.load %arg3[%get3A_69, %get3A_70] : memref<2048x896xf32, #tpu.memory_space<vmem>>, vector<64x768xf32>
      %get3A_72 = arith.constant 0 : index
      %get3A_73 = arith.constant 0 : index
      %get3A_74 = arith.constant 0 : index
      %get3A_75 = vector.load %arg4[%get3A_72, %get3A_73, %get3A_74] : memref<1x768x1536xf32, #tpu.memory_space<vmem>>, vector<1x768x1536xf32>
      %get3A_76 = vector.shape_cast %get3A_75 : vector<1x768x1536xf32> to vector<768x1536xf32>
      %dot_general3A = arith.constant dense<0.000000e+00> : vector<64x1536xf32>
      %dot_general3A_77 = tpu.matmul %get3A_71, %get3A_76, %dot_general3A {dimension_numbers = #tpu.dot_dimension_numbers<[1], [0], [0], [1], [0, 0, 1, 1], [], []>, transpose_lhs_hint = false} : vector<64x768xf32>, vector<768x1536xf32>, vector<64x1536xf32> -> vector<64x1536xf32>
      %integer_pow3A = arith.mulf %dot_general3A_77, %dot_general3A_77 : vector<64x1536xf32>
      %integer_pow3A_78 = arith.mulf %dot_general3A_77, %integer_pow3A : vector<64x1536xf32>
      %mul3A_79 = arith.constant 4.471500e-02 : f32
      %mul3A_80 = vector.broadcast %mul3A_79 : f32 to vector<64x1536xf32>
      %mul3A_81 = arith.mulf %mul3A_80, %integer_pow3A_78 : vector<64x1536xf32>
      %add3A_82 = arith.addf %dot_general3A_77, %mul3A_81 : vector<64x1536xf32>
      %mul3A_83 = arith.constant 0.797884583 : f32
      %mul3A_84 = vector.broadcast %mul3A_83 : f32 to vector<64x1536xf32>
      %mul3A_85 = arith.mulf %mul3A_84, %add3A_82 : vector<64x1536xf32>
      %tanh3A = math.tanh %mul3A_85 : vector<64x1536xf32>
      %add3A_86 = arith.constant 1.000000e+00 : f32
      %add3A_87 = vector.broadcast %add3A_86 : f32 to vector<64x1536xf32>
      %add3A_88 = arith.addf %add3A_87, %tanh3A : vector<64x1536xf32>
      %mul3A_89 = arith.constant 5.000000e-01 : f32
      %mul3A_90 = vector.broadcast %mul3A_89 : f32 to vector<64x1536xf32>
      %mul3A_91 = arith.mulf %mul3A_90, %add3A_88 : vector<64x1536xf32>
      %mul3A_92 = arith.mulf %dot_general3A_77, %mul3A_91 : vector<64x1536xf32>
      %get3A_93 = arith.constant 0 : index
      %get3A_94 = arith.constant 0 : index
      %get3A_95 = arith.constant 0 : index
      %get3A_96 = vector.load %arg5[%get3A_93, %get3A_94, %get3A_95] : memref<1x1536x768xf32, #tpu.memory_space<vmem>>, vector<1x1536x768xf32>
      %get3A_97 = vector.shape_cast %get3A_96 : vector<1x1536x768xf32> to vector<1536x768xf32>
      %dot_general3A_98 = arith.constant dense<0.000000e+00> : vector<64x768xf32>
      %dot_general3A_99 = tpu.matmul %mul3A_92, %get3A_97, %dot_general3A_98 {dimension_numbers = #tpu.dot_dimension_numbers<[1], [0], [0], [1], [0, 0, 1, 1], [], []>, transpose_lhs_hint = false} : vector<64x1536xf32>, vector<1536x768xf32>, vector<64x768xf32> -> vector<64x768xf32>
      %get3A_100 = arith.index_cast %multiple_of3A_68 : i32 to index
      %get3A_101 = arith.constant 768 : index
      %get3A_102 = vector.load %arg3[%get3A_100, %get3A_101] : memref<2048x896xf32, #tpu.memory_space<vmem>>, vector<64x1xf32>
      %iota3A = tpu.iota {dimensions = array<i32: 0>} : vector<64x1xi32>
      %add3A_103 = vector.broadcast %multiple_of3A_68 : i32 to vector<64x1xi32>
      %add3A_104 = arith.addi %add3A_103, %iota3A : vector<64x1xi32>
      %max3A = arith.maxsi %add3A_66, %get3A_2 : i32
      %ge3A = vector.broadcast %max3A : i32 to vector<64x1xi32>
      %ge3A_105 = arith.cmpi sge, %add3A_104, %ge3A : vector<64x1xi32>
      %add3A_106 = arith.addi %get3A_2, %get3A_4 : i32
      %lt3A = vector.broadcast %add3A_106 : i32 to vector<64x1xi32>
      %lt3A_107 = arith.cmpi slt, %add3A_104, %lt3A : vector<64x1xi32>
      %and3A_108 = arith.andi %ge3A_105, %lt3A_107 : vector<64x1xi1>
      %get3A_109 = arith.index_cast %multiple_of3A_68 : i32 to index
      %get3A_110 = arith.constant 0 : index
      %get3A_111 = vector.load %arg6[%get3A_109, %get3A_110] : memref<2048x768xf32, #tpu.memory_space<vmem>>, vector<64x768xf32>
      %mul3A_112 = vector.broadcast %get3A_102 : vector<64x1xf32> to vector<64x768xf32>
      %mul3A_113 = arith.mulf %dot_general3A_99, %mul3A_112 : vector<64x768xf32>
      %convert_element_type3A_114 = arith.extui %and3A_108 : vector<64x1xi1> to vector<64x1xi32>
      %convert_element_type3A_115 = arith.sitofp %convert_element_type3A_114 : vector<64x1xi32> to vector<64x1xf32>
      %mul3A_116 = vector.broadcast %convert_element_type3A_115 : vector<64x1xf32> to vector<64x768xf32>
      %mul3A_117 = arith.mulf %mul3A_113, %mul3A_116 : vector<64x768xf32>
      %add3A_118 = arith.addf %get3A_111, %mul3A_117 : vector<64x768xf32>
      %swap3A = arith.index_cast %multiple_of3A_68 : i32 to index
      %swap3A_119 = arith.constant 0 : index
      %swap3A_120 = vector.load %arg6[%swap3A, %swap3A_119] : memref<2048x768xf32, #tpu.memory_space<vmem>>, vector<64x768xf32>
      tpu.vector_store %arg6[%swap3A, %swap3A_119], %add3A_118 {strides = array<i32>} : memref<2048x768xf32, #tpu.memory_space<vmem>>, vector<64x768xf32>,
    }
    return
  }
  func.func @transform_0(%arg0: i32, %arg1: memref<64xi32, #tpu.memory_space<smem>>, %arg2: memref<64xi32, #tpu.memory_space<smem>>) -> (i32, i32) {
    %c0_i32 = arith.constant 0 : i32
    %c0_i32_0 = arith.constant 0 : i32
    %c0_i32_1 = arith.constant 0 : i32
    return %c0_i32, %c0_i32_0 : i32, i32
  }
  func.func @transform_1(%arg0: i32, %arg1: memref<64xi32, #tpu.memory_space<smem>>, %arg2: memref<64xi32, #tpu.memory_space<smem>>) -> (i32, i32, i32) {
    %c0_i32 = arith.constant 0 : i32
    %c0_i32_0 = arith.constant 0 : i32
    %c0_i32_1 = arith.constant 0 : i32
    return %arg0, %c0_i32, %c0_i32_0 : i32, i32, i32
  }
  func.func @transform_2(%arg0: i32, %arg1: memref<64xi32, #tpu.memory_space<smem>>, %arg2: memref<64xi32, #tpu.memory_space<smem>>) -> (i32, i32, i32) {
    %c0_i32 = arith.constant 0 : i32
    %c0_i32_0 = arith.constant 0 : i32
    %c0_i32_1 = arith.constant 0 : i32
    return %arg0, %c0_i32, %c0_i32_0 : i32, i32, i32
  }
  func.func @transform_3(%arg0: i32, %arg1: memref<64xi32, #tpu.memory_space<smem>>, %arg2: memref<64xi32, #tpu.memory_space<smem>>) -> (i32, i32) {
    %c0_i32 = arith.constant 0 : i32
    %c0_i32_0 = arith.constant 0 : i32
    %c0_i32_1 = arith.constant 0 : i32
    return %c0_i32, %c0_i32_0 : i32, i32
  }
}

</mosaic_0001>

<sc_bundles>
// kernel: kernel.6.cloned.1.call-start
scs
__scs_entry_jumppad:
0x0: {  	(pc) =	sbr.rel $0x88, $3  }
0x1: {  	(tag) =	ssettag $0x0;
	lr =	simm.s32 $0x1  }
0x2: {  	[smem:$0x3F9D] =	sst lr;
	_ =	strace $0xD0000000  }
0x3: {  	_ = 	snop  }
0x4: {  	_ = 	snop  }
0x5: {  	_ = 	snop  }
0x6: {  	_ = 	snop  }
0x7: {  	_ = 	snop  }
__scs_overlays_trampoline_lowered:
0x8: {  	[smem:$0x3FAC] =	sst s0  }
0x9: {  	[smem:$0x3FAD] =	sst s1  }
0xa: {  	[smem:$0x3FAE] =	sst s2  }
0xb: {  	[smem:$0x3FAF] =	sst s3  }
0xc: {  	[smem:$0x3FB0] =	sst s4  }
0xd: {  	[smem:$0x3FB1] =	sst s5  }
0xe: {  	[smem:$0x3FB2] =	sst s6  }
0xf: {  	[smem:$0x3FB3] =	sst s7  }
0x10: {  	[smem:$0x3FB4] =	sst s8  }
0x11: {  	[smem:$0x3FB5] =	sst s9;
	s0 =	simm.s32 @!p0 $0x0  }
0x12: {  	s1 =	sld [smem:$0x3F9B];
	s0 =	simm.s32 @p0 $0x1  }
0x13: {  	[smem:$0x3FB6] =	sst s0;
	s0 =	simm.s32 @!p1 $0x0  }
0x14: {  	s2 =	sld [smem:$0x3F9A];
	s0 =	simm.s32 @p1 $0x1  }
0x15: {  	[smem:$0x3FB7] =	sst s0;
	s0 =	simm.s32 @!p2 $0x0  }
0x16: {  	s3 =	sld [smem:$0x3FDB];
	s0 =	simm.s32 @p2 $0x1  }
0x17: {  	s4 =	simm.s32 $0x1BF5;
	[smem:$0x3FB9] =	sst s0  }
0x18: {  	s0 =	sld [smem:$0x3F9C];
	_ =	swait.ge [sflag:s4], $0x0  }
0x19: {  	s7 =	sld [smem:$0x3F9D]  }
0x1a: {  	s8 =	sadd.s32 $0xFFFFE003, lr  }
0x1b: {  	s9 =	sadd.s32 $0xFFFFFEF7, lr;
	s5 =	simm.s32 $0xFFFFFFFF;
	p2 =	slt.u32 s8, $0xFFFFF086  }
0x1c: {  	p1 =	slt.u32 s9, $0xF7A;
	s5 =	simm.s32 @!p2 $0x0  }
0x1d: {  	s5 =	simm.s32 @p1 $0x1;
	p0 =	seq.s32 s7, s2  }
0x1e: {  	s7 =	smul.u32 @!p0 $0xF7A, s2;
	p2 =	seq.s32 @!p0 s5, $0x0  }
0x1f: {  	s9 =	smul.u32 $0xF7A, s1;
	s8 =	simm.s32 @!p0 $0x1BF5;
	p2 =	por !p2, p0  }
0x20: {  	[sflag:s8] =	ssyncset.s32 @!p0 $0xFFFFF086;
	s6 =	sadd.s32 @!p0 s3, s7;
	s7 =	simm.s32 @!p0 $0x108  }
0x21: {  	s3 =	sadd.s32 s3, s9;
	s6 =	sadd.s32 @!p0 $0x88, s6;
	s7 =	simm.s32 @p2 $0x1082  }
0x22: {  	[simem:s7], [sflag:s8] =	dma.local @!p0 [hbm:s6], $0xF7A  }
0x23: {  	s9 =	sor.u32 $0xD0000000, s2;
	s6 =	simm.s32 $0x108;
	_ =	swait.ge @!p0 [sflag:s8], $0x0  }
0x24: {  	s3 =	sadd.s32 $0x88, s3;
	s6 =	simm.s32 @!p1 $0x1082;
	[sflag:s4] =	ssyncset.s32 $0xFFFFF086  }
0x25: {  	[simem:s6], [sflag:s4] =	dma.local [hbm:s3], $0xF7A  }
0x26: {  	[smem:$0x3F9D] =	sst s1;
	(tag) =	ssettag s2;
	_ =	strace s9  }
0x27: {  	s1 =	sld [smem:$0x3FAD]  }
0x28: {  	s2 =	sld [smem:$0x3FAE]  }
0x29: {  	s4 =	sld [smem:$0x3FB0]  }
0x2a: {  	p0 =	seq.s32 s5, $0x0;
	s5 =	sld [smem:$0x3FB1]  }
0x2b: {  	s6 =	sld [smem:$0x3FB2]  }
0x2c: {  	s7 =	sld [smem:$0x3FB3]  }
0x2d: {  	s3 =	simm.s32 $0x108;
	s8 =	sld [smem:$0x3FB4]  }
0x2e: {  	s3 =	simm.s32 @!p0 $0x1082;
	s9 =	sld [smem:$0x3FB5]  }
0x2f: {  	lr =	sadd.s32 s0, s3;
	s0 =	sld [smem:$0x3FAC]  }
0x30: {  	s3 =	sld [smem:$0x3FAF]  }
0x31: {  	[smem:$0x3FB8] =	sst s10  }
0x32: {  	s10 =	sld [smem:$0x3FB6];
	_ =	sdelay $0x3  }
0x33: {  	p0 =	seq.s32 s10, $0x1;
	s10 =	sld [smem:$0x3FB8];
	_ =	sdelay $0x3  }
0x34: {  	[smem:$0x3FB8] =	sst s10  }
0x35: {  	s10 =	sld [smem:$0x3FB7];
	_ =	sdelay $0x3  }
0x36: {  	p1 =	seq.s32 s10, $0x1;
	s10 =	sld [smem:$0x3FB8];
	_ =	sdelay $0x3  }
0x37: {  	[smem:$0x3FB8] =	sst s10  }
0x38: {  	s10 =	sld [smem:$0x3FB9]  }
0x39: {  	_ = 	snop;
	(pc) =	sbr.ind lr, $3  }
0x3a: {  	_ = 	snop  }
0x3b: {  	_ = 	snop  }
0x3c: {  	p2 =	seq.s32 s10, $0x1;
	s10 =	sld [smem:$0x3FB8]  }
0x3d: {  	_ =	shalt  }
0x3e: {  	_ =	shalt  }
0x3f: {  	_ =	shalt  }
0x40: {  	_ =	shalt  }
0x41: {  	_ =	shalt  }
0x42: {  	_ =	shalt  }
0x43: {  	_ =	shalt  }
0x44: {  	_ =	shalt  }
0x45: {  	_ =	shalt  }
0x46: {  	_ =	shalt  }
0x47: {  	_ =	shalt  }
0x48: {  	_ =	shalt  }
0x49: {  	_ =	shalt  }
0x4a: {  	_ =	shalt  }
0x4b: {  	_ =	shalt  }
0x4c: {  	_ =	shalt  }
0x4d: {  	_ =	shalt  }
0x4e: {  	_ =	shalt  }
0x4f: {  	_ =	shalt  }
0x50: {  	_ =	shalt  }
0x51: {  	_ =	shalt  }
0x52: {  	_ =	shalt  }
0x53: {  	_ =	shalt  }
0x54: {  	_ =	shalt  }
0x55: {  	_ =	shalt  }
0x56: {  	_ =	shalt  }
0x57: {  	_ =	shalt  }
0x58: {  	_ =	shalt  }
0x59: {  	_ =	shalt  }
0x5a: {  	_ =	shalt  }
0x5b: {  	_ =	shalt  }
0x5c: {  	_ =	shalt  }
0x5d: {  	_ =	shalt  }
0x5e: {  	_ =	shalt  }
0x5f: {  	_ =	shalt  }
0x60: {  	_ =	shalt  }
0x61: {  	_ =	shalt  }
0x62: {  	_ =	shalt  }
0x63: {  	_ =	shalt  }
0x64: {  	_ =	shalt  }
0x65: {  	_ =	shalt  }
0x66: {  	_ =	shalt  }
0x67: {  	_ =	shalt  }
0x68: {  	_ =	shalt  }
0x69: {  	_ =	shalt  }
0x6a: {  	_ =	shalt  }
0x6b: {  	_ =	shalt  }
0x6c: {  	_ =	shalt  }
0x6d: {  	_ =	shalt  }
0x6e: {  	_ =	shalt  }
0x6f: {  	_ =	shalt  }
0x70: {  	_ =	shalt  }
0x71: {  	_ =	shalt  }
0x72: {  	_ =	shalt  }
0x73: {  	_ =	shalt  }
0x74: {  	_ =	shalt  }
0x75: {  	_ =	shalt  }
0x76: {  	_ =	shalt  }
0x77: {  	_ =	shalt  }
0x78: {  	_ =	shalt  }
0x79: {  	_ =	shalt  }
0x7a: {  	_ =	shalt  }
0x7b: {  	_ =	shalt  }
0x7c: {  	_ =	shalt  }
0x7d: {  	_ =	shalt  }
0x7e: {  	_ =	shalt  }
0x7f: {  	_ =	shalt  }
0x80: {  	_ =	shalt  }
0x81: {  	_ =	shalt  }
0x82: {  	_ =	shalt  }
0x83: {  	_ =	shalt  }
0x84: {  	_ =	shalt  }
0x85: {  	_ =	shalt  }
0x86: {  	_ =	shalt  }
0x87: {  	_ =	shalt  }
.Lfunc_end0:
.L_simem_size_0:
called_computation_lowered:
.L_overlay_start_0:
0x88: {  	s2 =	sld [smem:$0x3FD9]  }
0x89: {  	s3 =	sld [smem:$0x3FFE];
	_ =	sdelay $0x1  }
0x8a: {  	s1 =	srdreg.scid  }
0x8b: {  	s0 =	sand.u32 $0x1, s1  }
0x8c: {  	s16 =	sshll.u32 s0, $0xA;
	s2 =	sadd.s32 s3, s2  }
0x8d: {  	s2 =	sadd.s32 s2, s16  }
0x8e: {  	[smem:$0x3FC4] =	sst s2  }
0x8f: {  	_ = 	snop  }
0x90: {  	(tm) =	ssettm $0x1  }
0x91: {  	s17 =	sld [smem:$0x3FFB];
	_ =	sdelay $0x3  }
0x92: {  	_ =	strace s17  }
0x93: {  	s2 =	sld [smem:$0x3FFC];
	_ =	sdelay $0x3  }
0x94: {  	_ =	strace s2  }
0x95: {  	s2 =	sld [smem:$0x3FFD];
	_ =	sdelay $0x3  }
0x96: {  	_ =	strace s2  }
0x97: {  	_ =	strace $0x8FFFFFFF  }
0x98: {  	s18 =	sld [smem:$0x3FDB];
	_ =	sdelay $0x1  }
0x99: {  	s19 =	simm.s32 $_scs_section_size  }
0x9a: {  	s4 =	simm.s32 $_size__tile_overlayer_lowered;
	s5 =	simm.s32 $_tile_overlayer_lowered  }
0x9b: {  	s22 =	simm.s32 $0x1BFF;
	s21 =	sshll.u32 s5, $0x1;
	s2 =	sadd.s32 s19, s18  }
0x9c: {  	s6 =	simm.s32 $0x0;
	s20 =	sshll.u32 s4, $0x1;
	s4 =	sadd.s32 s21, s2  }
0x9d: {  	[timem:s6], [sflag:s22] =	dma.local [hbm:s4], s20  }
0x9e: {  	_ =	swait.ge [sflag:s22], s20  }
0x9f: {  	s3 =	ssub.s32 $0x0, s20;
	[sflag:s22] =	ssyncset.done $0x0  }
0xa0: {  	[sflag:s22] =	ssyncadd.s32 s3;
	_ =	sdelay $0x1  }
0xa1: {  	s23 =	simm.s32 $0x1B8B  }
0xa2: {  	_ =	swait.ge [sflag:s23], $0x1  }
0xa3: {  	[sflag:s23] =	ssyncset.done $0x0  }
0xa4: {  	s25 =	simm.s32 $0x1B8E;
	s24 =	sld [smem:$0x3FFE];
	[sflag:s23] =	ssyncadd.s32 $0xFFFFFFFF  }
0xa5: {  	s26 =	simm.s32 $execute0_lowered;
	[smem:$0x3FD2] =	sst s25  }
0xa6: {  	s4 =	sshll.u32 s26, $0x1;
	_ =	strace $0x80000046;
	[dreg:$0x1] =	wrdreg $0xFFFFFFFF  }
0xa7: {  	s28 =	simm.s32 $_size_execute0_lowered;
	s2 =	sadd.s32 s2, s4;
	[dreg:$0x0] =	wrdreg $0x0  }
0xa8: {  	s4 =	sshll.u32 s28, $0x1;
	[dreg:$0x2] =	wrdreg s2  }
0xa9: {  	[dreg:$0x3] =	wrdreg s4  }
0xaa: {  	[dreg:$0x4] =	wrdreg $0xC0  }
0xab: {  	_ =	task [dreg:s6], $0x5FFFF  }
0xac: {  	[dreg:$0x1] =	wrdreg $0xFFFFFFFF  }
0xad: {  	[dreg:$0x0] =	wrdreg $0x60  }
0xae: {  	[dreg:$0x2] =	wrdreg s24  }
0xaf: {  	[dreg:$0x3] =	wrdreg $0x9  }
0xb0: {  	_ =	task.clear_ibuf [dreg:s6], $0x4FFFF;
	_ =	strace $0x90000046  }
0xb1: {  	s29 =	simm.s32 $0x9;
	_ =	strace $0x80000048  }
0xb2: {  	_ =	swait.ge [sflag:s29], $0x1  }
0xb3: {  	[sflag:s29] =	ssyncadd.s32 $0xFFFFFFFF  }
0xb4: {  	_ =	strace $0x90000048  }
0xb5: {  	_ =	sfence  }
0xb6: {  	s30 =	sld [smem:$0x0];
	_ =	sdelay $0x2  }
0xb7: {  	s31 =	sshll.u32 s1, $0xD;
	s1 =	sshrl.u32 s1, $0x2  }
0xb8: {  	s3 =	sand.u32 $0x4000, s31;
	s1 =	sadd.s32 s1, s30  }
0xb9: {  	s0 =	sor.u32 s3, s0;
	s1 =	sshll.u32 s1, $0x11  }
0xba: {  	s0 =	sor.u32 s1, s0  }
0xbb: {  	s0 =	sadd.s32 $0x8F2B, s0  }
0xbc: {  	[sflag:s0] =	ssyncadd.remote.s32 $0x1  }
0xbd: {  	_ =	sfence.sel $0xFFFF  }
0xbe: {  	[dreg:$0x0] =	wrdreg $0xFFFFFFFF;
	(pc) =	sbr.abs _section_cstart, $3  }
0xbf: {  	[dreg:$0x1] =	wrdreg $0xFFFFFFFF  }
0xc0: {  	_ =	task.clear_ibuf [dreg:s6], $0x2FFFF;
	_ =	strace $0x9FFFFFFF  }
0xc1: {  	(tm) =	ssettm $0x7FFFFFFF  }
tec
execute0_lowered:
.L_overlay_start_1:
0x0: {  	(tag) =	ssettag $0x1  }
0x1: {  	s1 =	srdreg.scid;
	s0 =	stileid.u32  }
0x2: {  	s6 =	rddreg [dreg:$0x0];
	s19 =	simm.s32 $0x880;
	s20 =	simm.s32 $0x1080  }
0x3: {  	s21 =	simm.s32 $0x1880;
	s22 =	simm.s32 $0x1C80;
	s23 =	simm.s32 $0x2480  }
0x4: {  	s7 =	simm.s32 $0x2C80;
	s24 =	simm.s32 $0x3480;
	s8 =	simm.s32 $0x3880  }
0x5: {  	s25 =	simm.s32 $0x4080;
	s26 =	simm.s32 $0x4880;
	s1 =	sand.u32 $0x1, s1  }
0x6: {  	s9 =	simm.s32 $0x80;
	s2 =	sshll.u32 s0, $0x4;
	s3 =	sshll.u32 s1, $0x3  }
0x7: {  	s11 =	simm.s32 $0x5480;
	s3 =	sor.u32 s3, s2;
	s2 =	simm.s32 $0x0  }
0x8: {  	s12 =	simm.s32 $0x5C80;
	s13 =	simm.s32 $0x6480;
	[smem:$0x7FF] =	sst s2  }
0x9: {  	s14 =	simm.s32 $0x6C80;
	_ =	strace $0x80000047;
	[dreg:$0x4] =	wrdreg s19  }
0xa: {  	s15 =	simm.s32 $0x7080;
	s16 =	simm.s32 $0x7880;
	[dreg:$0x5] =	wrdreg s20  }
0xb: {  	s17 =	simm.s32 $0x8080;
	s28 =	simm.s32 $0xC480;
	[dreg:$0x6] =	wrdreg s21  }
0xc: {  	s29 =	simm.s32 $0xCC80;
	s30 =	simm.s32 $0xD480;
	[dreg:$0x7] =	wrdreg s22  }
0xd: {  	s31 =	simm.s32 $0xDC80;
	s1 =	ssub.s32 $0x2, s1;
	[dreg:$0x8] =	wrdreg s23  }
0xe: {  	s5 =	sshrl.u32 s1, $0x1;
	s4 =	smul.u32 $0x380, s3;
	[dreg:$0x9] =	wrdreg s7  }
0xf: {  	s3 =	sadd.s32 s3, s6;
	s1 =	ssub.s32 s1, s5;
	[dreg:$0xa] =	wrdreg s24  }
0x10: {  	s5 =	sadd.s32 $0x39200, s6;
	s3 =	sadd.s32 $0x38E00, s3;
	[dreg:$0xb] =	wrdreg s8  }
0x11: {  	s7 =	smax.u32 s1, $0x1;
	s8 =	simm.s32 $0x2;
	[dreg:$0xc] =	wrdreg s25  }
0x12: {  	[dreg:$0xd] =	wrdreg s26;
	s19 =	simm.s32 $0x8C80;
	s20 =	simm.s32 $0x9480  }
0x13: {  	s21 =	simm.s32 $0x9C80;
	s22 =	simm.s32 $0xA480;
	s23 =	simm.s32 $0xA880  }
0x14: {  	s24 =	simm.s32 $0xB080;
	s25 =	simm.s32 $0xB880;
	s26 =	simm.s32 $0xC080  }
0x15: {  	v2 =	vlaneseq.u32;
	s1 =	simm.s32 $0x1;
	s4 =	sadd.s32 s4, s6;
	[dreg:$0x2] =	wrdreg s3  }
0x16: {  	vm0 =	vmmov $0xffff;
	vm1 =	vmmov $0xff;
	v1 =	vshrl.u32 v2, $0x3;
	s3 =	sadd.s32 $0x39000, s6;
	s18 =	sadd.s32 $0xE00, s4;
	s4 =	sadd.s32 $0x39100, s6  }
0x17: {  	v0 =	vand.u32 $0x7, v2;
	v2 =	vor.u32 $0x8, v2;
	v1 =	vmul.u32 $0x8, v1;
	s6 =	sadd.s32 $0x39300, s6;
	[dreg:$0x3] =	wrdreg s18;
	s18 =	simm.s32 $0x8880  }
.LBB2_1:
0x18: {  	s0 =	rddreg [dreg:$0x2]  }
0x19: {  	[tilespmem:s2], [sflag:$0x2] =	stream.linear.gather [hbm4b:s0+s2], $0x40, $0x38;
	[tilespmem:$0xE080] =	vst v63  }
0x1a: {  	_ =	swait.ge [sflag:s8], $0x40  }
0x1b: {  	[sflag:s8] =	ssyncset.done $0x0  }
0x1c: {  	s10 =	rddreg [dreg:$0x3];
	[sflag:s8] =	ssyncadd.s32 $0xFFFFFFC0  }
0x1d: {  	[tilespmem:s9], [sflag:$0x2] =	stream.linear.gather [hbm4b:s10+s2], $0xE000, $0x38;
	[tilespmem:$0xE080] =	vst v63  }
0x1e: {  	_ =	swait.ge [sflag:s8], $0xE000  }
0x1f: {  	[sflag:s8] =	ssyncset.done $0x0  }
0x20: {  	[sflag:s8] =	ssyncadd.s32 $0xFFFF2000  }
0x21: {  	v3 =	vld [tilespmem:$0x0];
	_ =	sdelay $0x4  }
0x22: {  	v4 =	vshrl.u32 v3, $0x3  }
0x23: {  	v4 =	vmul.u32 $0x38, v4  }
0x24: {  	v3 =	vand.u32 $0x7, v3  }
0x25: {  	v3 =	vor.u32 v3, v4  }
0x26: {  	v4 =	vperm.xlane v3, v0;
	_ =	sdelay $0x1  }
0x27: {  	v4 =	vadd.s32 v1, v4;
	_ =	sdelay $0x4  }
0x28: {  	[hbm4b:s3+s2] =	stream.indirect_vreg.scatter [tilespmem:s9], [sflag:$0x1], $0x80, v4, vm0, $0xb8;
	[tilespmem:$0xE080] =	vst v63  }
0x29: {  	s0 =	rddreg [dreg:$0x4];
	v3 =	vperm.xlane v3, v2  }
0x2a: {  	[hbm4b:s4+s2] =	stream.indirect_vreg.scatter [tilespmem:s0], [sflag:$0x1], $0x80, v4, vm0, $0xb8;
	[tilespmem:$0xE080] =	vst v63  }
0x2b: {  	s10 =	rddreg [dreg:$0x5];
	v3 =	vadd.s32 v1, v3  }
0x2c: {  	[hbm4b:s5+s2] =	stream.indirect_vreg.scatter [tilespmem:s10], [sflag:$0x1], $0x80, v4, vm0, $0xb8;
	[tilespmem:$0xE080] =	vst v63  }
0x2d: {  	s0 =	rddreg [dreg:$0x6]  }
0x2e: {  	[hbm4b:s6+s2] =	stream.indirect_vreg.scatter [tilespmem:s0], [sflag:$0x1], $0x80, v4, vm1, $0xb8;
	[tilespmem:$0xE080] =	vst v63  }
0x2f: {  	s10 =	rddreg [dreg:$0x7]  }
0x30: {  	[hbm4b:s3+s2] =	stream.indirect_vreg.scatter [tilespmem:s10], [sflag:$0x1], $0x80, v3, vm0, $0xb8;
	[tilespmem:$0xE080] =	vst v63  }
0x31: {  	s0 =	rddreg [dreg:$0x8]  }
0x32: {  	[hbm4b:s4+s2] =	stream.indirect_vreg.scatter [tilespmem:s0], [sflag:$0x1], $0x80, v3, vm0, $0xb8;
	[tilespmem:$0xE080] =	vst v63  }
0x33: {  	s10 =	rddreg [dreg:$0x9]  }
0x34: {  	[hbm4b:s5+s2] =	stream.indirect_vreg.scatter [tilespmem:s10], [sflag:$0x1], $0x80, v3, vm0, $0xb8;
	[tilespmem:$0xE080] =	vst v63  }
0x35: {  	s0 =	rddreg [dreg:$0xa]  }
0x36: {  	[hbm4b:s6+s2] =	stream.indirect_vreg.scatter [tilespmem:s0], [sflag:$0x1], $0x80, v3, vm1, $0xb8;
	[tilespmem:$0xE080] =	vst v63  }
0x37: {  	v3 =	vld [tilespmem:$0x10];
	_ =	sdelay $0x4  }
0x38: {  	v61 =	vshrl.u32 v3, $0x3  }
0x39: {  	v4 =	vmul.u32 $0x38, v61  }
0x3a: {  	v3 =	vand.u32 $0x7, v3  }
0x3b: {  	v3 =	vor.u32 v3, v4  }
0x3c: {  	v4 =	vperm.xlane v3, v0;
	_ =	sdelay $0x1  }
0x3d: {  	v4 =	vadd.s32 v1, v4;
	_ =	sdelay $0x3  }
0x3e: {  	s0 =	rddreg [dreg:$0xb]  }
0x3f: {  	[hbm4b:s3+s2] =	stream.indirect_vreg.scatter [tilespmem:s0], [sflag:$0x1], $0x80, v4, vm0, $0xb8;
	[tilespmem:$0xE080] =	vst v63  }
0x40: {  	s10 =	rddreg [dreg:$0xc];
	v3 =	vperm.xlane v3, v2  }
0x41: {  	[hbm4b:s4+s2] =	stream.indirect_vreg.scatter [tilespmem:s10], [sflag:$0x1], $0x80, v4, vm0, $0xb8;
	[tilespmem:$0xE080] =	vst v63  }
0x42: {  	v3 =	vadd.s32 v1, v3;
	s0 =	rddreg [dreg:$0xd]  }
0x43: {  	[hbm4b:s5+s2] =	stream.indirect_vreg.scatter [tilespmem:s0], [sflag:$0x1], $0x80, v4, vm0, $0xb8;
	[tilespmem:$0xE080] =	vst v63  }
0x44: {  	s10 =	simm.s32 $0x5080  }
0x45: {  	[hbm4b:s6+s2] =	stream.indirect_vreg.scatter [tilespmem:s10], [sflag:$0x1], $0x80, v4, vm1, $0xb8;
	[tilespmem:$0xE080] =	vst v63  }
0x46: {  	_ = 	snop  }
0x47: {  	[hbm4b:s3+s2] =	stream.indirect_vreg.scatter [tilespmem:s11], [sflag:$0x1], $0x80, v3, vm0, $0xb8;
	[tilespmem:$0xE080] =	vst v63  }
0x48: {  	_ = 	snop  }
0x49: {  	[hbm4b:s4+s2] =	stream.indirect_vreg.scatter [tilespmem:s12], [sflag:$0x1], $0x80, v3, vm0, $0xb8;
	[tilespmem:$0xE080] =	vst v63  }
0x4a: {  	_ = 	snop  }
0x4b: {  	[hbm4b:s5+s2] =	stream.indirect_vreg.scatter [tilespmem:s13], [sflag:$0x1], $0x80, v3, vm0, $0xb8;
	[tilespmem:$0xE080] =	vst v63  }
0x4c: {  	_ = 	snop  }
0x4d: {  	[hbm4b:s6+s2] =	stream.indirect_vreg.scatter [tilespmem:s14], [sflag:$0x1], $0x80, v3, vm1, $0xb8;
	[tilespmem:$0xE080] =	vst v63  }
0x4e: {  	v3 =	vld [tilespmem:$0x20];
	_ =	sdelay $0x4  }
0x4f: {  	v62 =	vshrl.u32 v3, $0x3  }
0x50: {  	v4 =	vmul.u32 $0x38, v62  }
0x51: {  	v3 =	vand.u32 $0x7, v3  }
0x52: {  	v3 =	vor.u32 v3, v4  }
0x53: {  	v4 =	vperm.xlane v3, v0;
	_ =	sdelay $0x1  }
0x54: {  	v4 =	vadd.s32 v1, v4;
	_ =	sdelay $0x4  }
0x55: {  	[hbm4b:s3+s2] =	stream.indirect_vreg.scatter [tilespmem:s15], [sflag:$0x1], $0x80, v4, vm0, $0xb8;
	[tilespmem:$0xE080] =	vst v63  }
0x56: {  	v3 =	vperm.xlane v3, v2  }
0x57: {  	[hbm4b:s4+s2] =	stream.indirect_vreg.scatter [tilespmem:s16], [sflag:$0x1], $0x80, v4, vm0, $0xb8;
	[tilespmem:$0xE080] =	vst v63  }
0x58: {  	v3 =	vadd.s32 v1, v3  }
0x59: {  	[hbm4b:s5+s2] =	stream.indirect_vreg.scatter [tilespmem:s17], [sflag:$0x1], $0x80, v4, vm0, $0xb8;
	[tilespmem:$0xE080] =	vst v63  }
0x5a: {  	_ = 	snop  }
0x5b: {  	[hbm4b:s6+s2] =	stream.indirect_vreg.scatter [tilespmem:s18], [sflag:$0x1], $0x80, v4, vm1, $0xb8;
	[tilespmem:$0xE080] =	vst v63  }
0x5c: {  	_ = 	snop  }
0x5d: {  	[hbm4b:s3+s2] =	stream.indirect_vreg.scatter [tilespmem:s19], [sflag:$0x1], $0x80, v3, vm0, $0xb8;
	[tilespmem:$0xE080] =	vst v63  }
0x5e: {  	_ = 	snop  }
0x5f: {  	[hbm4b:s4+s2] =	stream.indirect_vreg.scatter [tilespmem:s20], [sflag:$0x1], $0x80, v3, vm0, $0xb8;
	[tilespmem:$0xE080] =	vst v63  }
0x60: {  	_ = 	snop  }
0x61: {  	[hbm4b:s5+s2] =	stream.indirect_vreg.scatter [tilespmem:s21], [sflag:$0x1], $0x80, v3, vm0, $0xb8;
	[tilespmem:$0xE080] =	vst v63  }
0x62: {  	_ = 	snop  }
0x63: {  	[hbm4b:s6+s2] =	stream.indirect_vreg.scatter [tilespmem:s22], [sflag:$0x1], $0x80, v3, vm1, $0xb8;
	[tilespmem:$0xE080] =	vst v63  }
0x64: {  	v3 =	vld [tilespmem:$0x30];
	_ =	sdelay $0x4  }
0x65: {  	v63 =	vshrl.u32 v3, $0x3  }
0x66: {  	v4 =	vmul.u32 $0x38, v63  }
0x67: {  	v3 =	vand.u32 $0x7, v3  }
0x68: {  	v3 =	vor.u32 v3, v4  }
0x69: {  	v4 =	vperm.xlane v3, v0;
	_ =	sdelay $0x1  }
0x6a: {  	v4 =	vadd.s32 v1, v4;
	_ =	sdelay $0x4  }
0x6b: {  	[hbm4b:s3+s2] =	stream.indirect_vreg.scatter [tilespmem:s23], [sflag:$0x1], $0x80, v4, vm0, $0xb8;
	[tilespmem:$0xE080] =	vst v63  }
0x6c: {  	v3 =	vperm.xlane v3, v2  }
0x6d: {  	[hbm4b:s4+s2] =	stream.indirect_vreg.scatter [tilespmem:s24], [sflag:$0x1], $0x80, v4, vm0, $0xb8;
	[tilespmem:$0xE080] =	vst v63  }
0x6e: {  	v3 =	vadd.s32 v1, v3  }
0x6f: {  	[hbm4b:s5+s2] =	stream.indirect_vreg.scatter [tilespmem:s25], [sflag:$0x1], $0x80, v4, vm0, $0xb8;
	[tilespmem:$0xE080] =	vst v63  }
0x70: {  	_ = 	snop  }
0x71: {  	[hbm4b:s6+s2] =	stream.indirect_vreg.scatter [tilespmem:s26], [sflag:$0x1], $0x80, v4, vm1, $0xb8;
	[tilespmem:$0xE080] =	vst v63  }
0x72: {  	_ = 	snop  }
0x73: {  	[hbm4b:s3+s2] =	stream.indirect_vreg.scatter [tilespmem:s28], [sflag:$0x1], $0x80, v3, vm0, $0xb8;
	[tilespmem:$0xE080] =	vst v63  }
0x74: {  	_ = 	snop  }
0x75: {  	[hbm4b:s4+s2] =	stream.indirect_vreg.scatter [tilespmem:s29], [sflag:$0x1], $0x80, v3, vm0, $0xb8;
	[tilespmem:$0xE080] =	vst v63  }
0x76: {  	p0 =	sne.s32 s7, $0x1  }
0x77: {  	[hbm4b:s5+s2] =	stream.indirect_vreg.scatter [tilespmem:s30], [sflag:$0x1], $0x80, v3, vm0, $0xb8;
	[tilespmem:$0xE080] =	vst v63  }
.Ltmp0:
0x78: {  	_ = 	snop;
	(pc) =	sbr.rel @p0 .LBB2_1-.Ltmp0, $4  }
0x79: {  	[hbm4b:s6+s2] =	stream.indirect_vreg.scatter [tilespmem:s31], [sflag:$0x1], $0x80, v3, vm1, $0xb8;
	[tilespmem:$0xE080] =	vst v63  }
0x7a: {  	_ =	swait.ge [sflag:s1], $0xE000  }
0x7b: {  	[sflag:s1] =	ssyncset.done $0x0  }
0x7c: {  	s7 =	sadd.s32 $0xFFFFFFFF, s7;
	[sflag:s1] =	ssyncadd.s32 $0xFFFF2000  }
0x7d: {  	_ =	sfence.sel $0x180000  }
0x7e: {  	[bflag:$0x0] =	sbarrier.arrive $0xFFFF  }
0x7f: {  	_ =	strace $0x90000047  }
0x80: {  	s0 =	stileid.u32;
	[bflag:$0x2] =	sbarrier.arrive $0xFFFF  }
0x81: {  	p0 =	sne.s32 s0, $0x0;
	s0 =	rddreg [dreg:$0x1]  }
0x82: {  	s0 =	sadd.s32 @!p0 $0x100000, s0  }
0x83: {  	[sflag:s0] =	ssyncadd.tile.s32 @!p0 $0x1;
	_ =	shalt  }
.Lfunc_end2:
_tile_overlayer_lowered:
.L_overlay_start_2:
0x84: {  	(tag) =	ssettag $0x2  }
0x85: {  	s0 =	rddreg [dreg:$0x0];
	s2 =	stileid.u32  }
0x86: {  	s1 =	rddreg [dreg:$0x1];
	p0 =	sne.s32 s2, $0x0  }
0x87: {  	s3 =	rddreg [dreg:$0x2];
	[bflag:$0x3] =	sbarrier.arrive $0xFFFF;
	s2 =	simm.s32 @!p0 $0x1C02  }
0x88: {  	[timem:s3], [sflag:s2] =	dma.local @!p0 [hbm:s0], s1  }
0x89: {  	s0 =	simm.s32 @!p0 $0x2  }
0x8a: {  	_ =	swait.ge @!p0 [sflag:s0], s1  }
0x8b: {  	s1 =	ssub.s32 @!p0 $0x0, s1;
	[sflag:s0] =	ssyncset.done @!p0 $0x0  }
0x8c: {  	[sflag:s0] =	ssyncadd.s32 @!p0 s1  }
0x8d: {  	[bflag:$0x3] =	sbarrier.arrive $0xFFFF  }
0x8e: {  	_ =	shalt  }

// kernel: kernel.9.cloned.1.call-start
scs
__scs_entry_jumppad:
0x0: {  	(pc) =	sbr.rel $0x88, $3  }
0x1: {  	(tag) =	ssettag $0x0;
	lr =	simm.s32 $0x1  }
0x2: {  	[smem:$0x3F9D] =	sst lr;
	_ =	strace $0xD0000000  }
0x3: {  	_ = 	snop  }
0x4: {  	_ = 	snop  }
0x5: {  	_ = 	snop  }
0x6: {  	_ = 	snop  }
0x7: {  	_ = 	snop  }
__scs_overlays_trampoline_lowered:
0x8: {  	[smem:$0x3FAC] =	sst s0  }
0x9: {  	[smem:$0x3FAD] =	sst s1  }
0xa: {  	[smem:$0x3FAE] =	sst s2  }
0xb: {  	[smem:$0x3FAF] =	sst s3  }
0xc: {  	[smem:$0x3FB0] =	sst s4  }
0xd: {  	[smem:$0x3FB1] =	sst s5  }
0xe: {  	[smem:$0x3FB2] =	sst s6  }
0xf: {  	[smem:$0x3FB3] =	sst s7  }
0x10: {  	[smem:$0x3FB4] =	sst s8  }
0x11: {  	[smem:$0x3FB5] =	sst s9;
	s0 =	simm.s32 @!p0 $0x0  }
0x12: {  	s1 =	sld [smem:$0x3F9B];
	s0 =	simm.s32 @p0 $0x1  }
0x13: {  	[smem:$0x3FB6] =	sst s0;
	s0 =	simm.s32 @!p1 $0x0  }
0x14: {  	s2 =	sld [smem:$0x3F9A];
	s0 =	simm.s32 @p1 $0x1  }
0x15: {  	[smem:$0x3FB7] =	sst s0;
	s0 =	simm.s32 @!p2 $0x0  }
0x16: {  	s3 =	sld [smem:$0x3FDB];
	s0 =	simm.s32 @p2 $0x1  }
0x17: {  	s4 =	simm.s32 $0x1BF5;
	[smem:$0x3FB9] =	sst s0  }
0x18: {  	s0 =	sld [smem:$0x3F9C];
	_ =	swait.ge [sflag:s4], $0x0  }
0x19: {  	s7 =	sld [smem:$0x3F9D]  }
0x1a: {  	s8 =	sadd.s32 $0xFFFFE003, lr  }
0x1b: {  	s9 =	sadd.s32 $0xFFFFFEF7, lr;
	s5 =	simm.s32 $0xFFFFFFFF;
	p2 =	slt.u32 s8, $0xFFFFF086  }
0x1c: {  	p1 =	slt.u32 s9, $0xF7A;
	s5 =	simm.s32 @!p2 $0x0  }
0x1d: {  	s5 =	simm.s32 @p1 $0x1;
	p0 =	seq.s32 s7, s2  }
0x1e: {  	s7 =	smul.u32 @!p0 $0xF7A, s2;
	p2 =	seq.s32 @!p0 s5, $0x0  }
0x1f: {  	s9 =	smul.u32 $0xF7A, s1;
	s8 =	simm.s32 @!p0 $0x1BF5;
	p2 =	por !p2, p0  }
0x20: {  	[sflag:s8] =	ssyncset.s32 @!p0 $0xFFFFF086;
	s6 =	sadd.s32 @!p0 s3, s7;
	s7 =	simm.s32 @!p0 $0x108  }
0x21: {  	s3 =	sadd.s32 s3, s9;
	s6 =	sadd.s32 @!p0 $0x88, s6;
	s7 =	simm.s32 @p2 $0x1082  }
0x22: {  	[simem:s7], [sflag:s8] =	dma.local @!p0 [hbm:s6], $0xF7A  }
0x23: {  	s9 =	sor.u32 $0xD0000000, s2;
	s6 =	simm.s32 $0x108;
	_ =	swait.ge @!p0 [sflag:s8], $0x0  }
0x24: {  	s3 =	sadd.s32 $0x88, s3;
	s6 =	simm.s32 @!p1 $0x1082;
	[sflag:s4] =	ssyncset.s32 $0xFFFFF086  }
0x25: {  	[simem:s6], [sflag:s4] =	dma.local [hbm:s3], $0xF7A  }
0x26: {  	[smem:$0x3F9D] =	sst s1;
	(tag) =	ssettag s2;
	_ =	strace s9  }
0x27: {  	s1 =	sld [smem:$0x3FAD]  }
0x28: {  	s2 =	sld [smem:$0x3FAE]  }
0x29: {  	s4 =	sld [smem:$0x3FB0]  }
0x2a: {  	p0 =	seq.s32 s5, $0x0;
	s5 =	sld [smem:$0x3FB1]  }
0x2b: {  	s6 =	sld [smem:$0x3FB2]  }
0x2c: {  	s7 =	sld [smem:$0x3FB3]  }
0x2d: {  	s3 =	simm.s32 $0x108;
	s8 =	sld [smem:$0x3FB4]  }
0x2e: {  	s3 =	simm.s32 @!p0 $0x1082;
	s9 =	sld [smem:$0x3FB5]  }
0x2f: {  	lr =	sadd.s32 s0, s3;
	s0 =	sld [smem:$0x3FAC]  }
0x30: {  	s3 =	sld [smem:$0x3FAF]  }
0x31: {  	[smem:$0x3FB8] =	sst s10  }
0x32: {  	s10 =	sld [smem:$0x3FB6];
	_ =	sdelay $0x3  }
0x33: {  	p0 =	seq.s32 s10, $0x1;
	s10 =	sld [smem:$0x3FB8];
	_ =	sdelay $0x3  }
0x34: {  	[smem:$0x3FB8] =	sst s10  }
0x35: {  	s10 =	sld [smem:$0x3FB7];
	_ =	sdelay $0x3  }
0x36: {  	p1 =	seq.s32 s10, $0x1;
	s10 =	sld [smem:$0x3FB8];
	_ =	sdelay $0x3  }
0x37: {  	[smem:$0x3FB8] =	sst s10  }
0x38: {  	s10 =	sld [smem:$0x3FB9]  }
0x39: {  	_ = 	snop;
	(pc) =	sbr.ind lr, $3  }
0x3a: {  	_ = 	snop  }
0x3b: {  	_ = 	snop  }
0x3c: {  	p2 =	seq.s32 s10, $0x1;
	s10 =	sld [smem:$0x3FB8]  }
0x3d: {  	_ =	shalt  }
0x3e: {  	_ =	shalt  }
0x3f: {  	_ =	shalt  }
0x40: {  	_ =	shalt  }
0x41: {  	_ =	shalt  }
0x42: {  	_ =	shalt  }
0x43: {  	_ =	shalt  }
0x44: {  	_ =	shalt  }
0x45: {  	_ =	shalt  }
0x46: {  	_ =	shalt  }
0x47: {  	_ =	shalt  }
0x48: {  	_ =	shalt  }
0x49: {  	_ =	shalt  }
0x4a: {  	_ =	shalt  }
0x4b: {  	_ =	shalt  }
0x4c: {  	_ =	shalt  }
0x4d: {  	_ =	shalt  }
0x4e: {  	_ =	shalt  }
0x4f: {  	_ =	shalt  }
0x50: {  	_ =	shalt  }
0x51: {  	_ =	shalt  }
0x52: {  	_ =	shalt  }
0x53: {  	_ =	shalt  }
0x54: {  	_ =	shalt  }
0x55: {  	_ =	shalt  }
0x56: {  	_ =	shalt  }
0x57: {  	_ =	shalt  }
0x58: {  	_ =	shalt  }
0x59: {  	_ =	shalt  }
0x5a: {  	_ =	shalt  }
0x5b: {  	_ =	shalt  }
0x5c: {  	_ =	shalt  }
0x5d: {  	_ =	shalt  }
0x5e: {  	_ =	shalt  }
0x5f: {  	_ =	shalt  }
0x60: {  	_ =	shalt  }
0x61: {  	_ =	shalt  }
0x62: {  	_ =	shalt  }
0x63: {  	_ =	shalt  }
0x64: {  	_ =	shalt  }
0x65: {  	_ =	shalt  }
0x66: {  	_ =	shalt  }
0x67: {  	_ =	shalt  }
0x68: {  	_ =	shalt  }
0x69: {  	_ =	shalt  }
0x6a: {  	_ =	shalt  }
0x6b: {  	_ =	shalt  }
0x6c: {  	_ =	shalt  }
0x6d: {  	_ =	shalt  }
0x6e: {  	_ =	shalt  }
0x6f: {  	_ =	shalt  }
0x70: {  	_ =	shalt  }
0x71: {  	_ =	shalt  }
0x72: {  	_ =	shalt  }
0x73: {  	_ =	shalt  }
0x74: {  	_ =	shalt  }
0x75: {  	_ =	shalt  }
0x76: {  	_ =	shalt  }
0x77: {  	_ =	shalt  }
0x78: {  	_ =	shalt  }
0x79: {  	_ =	shalt  }
0x7a: {  	_ =	shalt  }
0x7b: {  	_ =	shalt  }
0x7c: {  	_ =	shalt  }
0x7d: {  	_ =	shalt  }
0x7e: {  	_ =	shalt  }
0x7f: {  	_ =	shalt  }
0x80: {  	_ =	shalt  }
0x81: {  	_ =	shalt  }
0x82: {  	_ =	shalt  }
0x83: {  	_ =	shalt  }
0x84: {  	_ =	shalt  }
0x85: {  	_ =	shalt  }
0x86: {  	_ =	shalt  }
0x87: {  	_ =	shalt  }
.Lfunc_end0:
.L_simem_size_0:
called_computation.1_lowered:
.L_overlay_start_0:
0x88: {  	s2 =	sld [smem:$0x3FD9]  }
0x89: {  	s3 =	sld [smem:$0x3FFE];
	_ =	sdelay $0x1  }
0x8a: {  	s1 =	srdreg.scid  }
0x8b: {  	s0 =	sand.u32 $0x1, s1  }
0x8c: {  	s14 =	sshll.u32 s0, $0xA;
	s2 =	sadd.s32 s3, s2  }
0x8d: {  	s2 =	sadd.s32 s2, s14  }
0x8e: {  	[smem:$0x3FC4] =	sst s2  }
0x8f: {  	_ = 	snop  }
0x90: {  	s2 =	sld [smem:$0x3FD0];
	_ =	sdelay $0x2  }
0x91: {  	s15 =	simm.s32 $0xA;
	s4 =	simm.s32 $0x10  }
0x92: {  	[smem:s4], [sflag:s15] =	dma.local [hbm:s2], $0x1  }
0x93: {  	_ =	swait.eq [sflag:s15], $0x1  }
0x94: {  	[sflag:s15] =	ssyncset.done $0x0  }
0x95: {  	[sflag:s15] =	ssyncadd.s32 $0xFFFFFFFF  }
0x96: {  	s16 =	sld [smem:$0x10];
	(tm) =	ssettm $0x1  }
0x97: {  	s17 =	sld [smem:$0x3FFB];
	_ =	sdelay $0x3  }
0x98: {  	_ =	strace s17  }
0x99: {  	s3 =	sld [smem:$0x3FFC];
	_ =	sdelay $0x3  }
0x9a: {  	_ =	strace s3  }
0x9b: {  	s3 =	sld [smem:$0x3FFD];
	_ =	sdelay $0x3  }
0x9c: {  	_ =	strace s3  }
0x9d: {  	_ =	strace $0x8FFFFFFF  }
0x9e: {  	s18 =	sld [smem:$0x3FDB];
	_ =	sdelay $0x1  }
0x9f: {  	s19 =	simm.s32 $_scs_section_size  }
0xa0: {  	s5 =	simm.s32 $_size__tile_overlayer_lowered;
	s6 =	simm.s32 $_tile_overlayer_lowered  }
0xa1: {  	s22 =	simm.s32 $0x1BFF;
	s21 =	sshll.u32 s6, $0x1;
	s3 =	sadd.s32 s19, s18  }
0xa2: {  	s7 =	simm.s32 $0x0;
	s20 =	sshll.u32 s5, $0x1;
	s5 =	sadd.s32 s21, s3  }
0xa3: {  	[timem:s7], [sflag:s22] =	dma.local [hbm:s5], s20  }
0xa4: {  	_ =	swait.ge [sflag:s22], s20  }
0xa5: {  	s4 =	ssub.s32 $0x0, s20;
	[sflag:s22] =	ssyncset.done $0x0  }
0xa6: {  	[sflag:s22] =	ssyncadd.s32 s4;
	_ =	sdelay $0x1  }
0xa7: {  	s23 =	simm.s32 $0x1B8B  }
0xa8: {  	_ =	swait.ge [sflag:s23], $0x1  }
0xa9: {  	[sflag:s23] =	ssyncset.done $0x0  }
0xaa: {  	s25 =	simm.s32 $0x1B8E;
	s24 =	sld [smem:$0x3FFE];
	[sflag:s23] =	ssyncadd.s32 $0xFFFFFFFF  }
0xab: {  	s26 =	simm.s32 $execute0_lowered;
	[smem:$0x3FD2] =	sst s25  }
0xac: {  	s5 =	sshll.u32 s26, $0x1;
	_ =	strace $0x80000049;
	[dreg:$0x1] =	wrdreg $0xFFFFFFFF  }
0xad: {  	s28 =	simm.s32 $_size_execute0_lowered;
	s3 =	sadd.s32 s3, s5;
	[dreg:$0x0] =	wrdreg $0x0  }
0xae: {  	s5 =	sshll.u32 s28, $0x1;
	[dreg:$0x2] =	wrdreg s3  }
0xaf: {  	[dreg:$0x3] =	wrdreg s5  }
0xb0: {  	[dreg:$0x4] =	wrdreg $0xC0  }
0xb1: {  	_ =	task [dreg:s7], $0x5FFFF  }
0xb2: {  	[dreg:$0x1] =	wrdreg $0xFFFFFFFF  }
0xb3: {  	[dreg:$0x0] =	wrdreg $0x60  }
0xb4: {  	[dreg:$0x2] =	wrdreg s24  }
0xb5: {  	[dreg:$0x3] =	wrdreg s16  }
0xb6: {  	[dreg:$0x4] =	wrdreg $0x9  }
0xb7: {  	_ =	task.clear_ibuf [dreg:s7], $0x5FFFF;
	_ =	strace $0x90000049  }
0xb8: {  	s29 =	simm.s32 $0x9;
	_ =	strace $0x8000004B  }
0xb9: {  	_ =	swait.ge [sflag:s29], $0x1  }
0xba: {  	[sflag:s29] =	ssyncadd.s32 $0xFFFFFFFF  }
0xbb: {  	_ =	strace $0x9000004B  }
0xbc: {  	_ =	sfence  }
0xbd: {  	s30 =	sld [smem:$0x0];
	_ =	sdelay $0x2  }
0xbe: {  	s31 =	sshll.u32 s1, $0xD;
	s1 =	sshrl.u32 s1, $0x2  }
0xbf: {  	s3 =	sand.u32 $0x4000, s31;
	s1 =	sadd.s32 s1, s30  }
0xc0: {  	s0 =	sor.u32 s3, s0;
	s1 =	sshll.u32 s1, $0x11  }
0xc1: {  	s0 =	sor.u32 s1, s0  }
0xc2: {  	s0 =	sadd.s32 $0x8F2B, s0  }
0xc3: {  	[sflag:s0] =	ssyncadd.remote.s32 $0x1  }
0xc4: {  	_ =	sfence.sel $0xFFFF  }
0xc5: {  	[dreg:$0x0] =	wrdreg $0xFFFFFFFF;
	(pc) =	sbr.abs _section_cstart, $3  }
0xc6: {  	[dreg:$0x1] =	wrdreg $0xFFFFFFFF  }
0xc7: {  	_ =	task.clear_ibuf [dreg:s7], $0x2FFFF;
	_ =	strace $0x9FFFFFFF  }
0xc8: {  	(tm) =	ssettm $0x7FFFFFFF  }
0xc9: {  	_ =	shalt  }
tec
execute0_lowered:
.L_overlay_start_1:
0x0: {  	(tag) =	ssettag $0x1  }
0x1: {  	s0 =	rddreg [dreg:$0x0]  }
0x2: {  	s5 =	rddreg [dreg:$0x1];
	s3 =	srdreg.scid  }
0x3: {  	s2 =	simm.s32 $0x0;
	s1 =	stileid.u32;
	s26 =	simm.s32 $0x880  }
0x4: {  	s10 =	simm.s32 $0x1880;
	s11 =	simm.s32 $0x2080;
	s12 =	simm.s32 $0x2880  }
0x5: {  	s13 =	simm.s32 $0x3080;
	s14 =	simm.s32 $0x3880;
	s15 =	simm.s32 $0x4080  }
0x6: {  	s16 =	simm.s32 $0x4880;
	s17 =	simm.s32 $0x5080;
	s18 =	simm.s32 $0x5880  }
0x7: {  	s19 =	simm.s32 $0x6080;
	s20 =	simm.s32 $0x6880;
	s21 =	simm.s32 $0x7080  }
0x8: {  	s22 =	simm.s32 $0x7880;
	s28 =	simm.s32 $0xA080;
	s29 =	simm.s32 $0xA880  }
0x9: {  	s30 =	simm.s32 $0xB080;
	s31 =	simm.s32 $0xB880;
	s3 =	sand.u32 $0x1, s3  }
0xa: {  	[smem:$0x7FF] =	sst s2;
	s4 =	sshll.u32 s1, $0x4;
	s6 =	sshll.u32 s3, $0x3  }
0xb: {  	_ =	strace $0x8000004A;
	s23 =	ssub.s32 $0x2, s3;
	s3 =	sadd.s32 $0xE00, s0  }
0xc: {  	[dreg:$0x5] =	wrdreg s26;
	s26 =	simm.s32 $0x9880;
	s4 =	sor.u32 s6, s4  }
0xd: {  	s8 =	sshrl.u32 s23, $0x1;
	s7 =	sadd.s32 s4, s0;
	s9 =	smul.u32 $0x300, s4  }
0xe: {  	s6 =	ssub.s32 s23, s8;
	s4 =	sadd.s32 $0xF00, s0;
	s8 =	simm.s32 $0x80  }
0xf: {  	s23 =	simm.s32 $0x8080;
	s24 =	sadd.s32 $0x38E00, s7;
	s6 =	smax.u32 s6, $0x1  }
0x10: {  	v2 =	vlaneseq.u32;
	s7 =	simm.s32 $0x2;
	[dreg:$0x3] =	wrdreg s24;
	s25 =	sadd.s32 s5, s9  }
0x11: {  	vm0 =	vmmov $0xffff;
	v1 =	vshrl.u32 v2, $0x3;
	s5 =	sadd.s32 $0x1000, s0;
	s9 =	simm.s32 $0x1080;
	s24 =	simm.s32 $0x8880  }
0x12: {  	v0 =	vand.u32 $0x7, v2;
	v2 =	vor.u32 $0x8, v2;
	v1 =	vmul.u32 $0x8, v1;
	s0 =	simm.s32 $0x1;
	[dreg:$0x4] =	wrdreg s25;
	s25 =	simm.s32 $0x9080  }
.LBB2_1:
0x13: {  	s1 =	rddreg [dreg:$0x3]  }
0x14: {  	[tilespmem:s2], [sflag:$0x2] =	stream.linear.gather [hbm4b:s1+s2], $0x40, $0x38;
	[tilespmem:$0xC080] =	vst v63  }
0x15: {  	_ =	swait.ge [sflag:s7], $0x40  }
0x16: {  	[sflag:s7] =	ssyncset.done $0x0  }
0x17: {  	[sflag:s7] =	ssyncadd.s32 $0xFFFFFFC0  }
0x18: {  	v3 =	vld [tilespmem:$0x0];
	_ =	sdelay $0x4  }
0x19: {  	v4 =	vshrl.u32 v3, $0x3  }
0x1a: {  	v4 =	vmul.u32 $0x30, v4  }
0x1b: {  	v3 =	vand.u32 $0x7, v3  }
0x1c: {  	v3 =	vor.u32 v3, v4  }
0x1d: {  	v4 =	vperm.xlane v3, v0;
	_ =	sdelay $0x1  }
0x1e: {  	v4 =	vadd.s32 v1, v4;
	_ =	sdelay $0x3  }
0x1f: {  	v3 =	vperm.xlane v3, v2  }
0x20: {  	[tilespmem:s8], [sflag:$0x1] =	stream.indirect_vreg.gather [hbm4b:s3+s2], $0x80, v4, vm0, $0xb8;
	[tilespmem:$0xC080] =	vst v63  }
0x21: {  	s1 =	rddreg [dreg:$0x5];
	v3 =	vadd.s32 v1, v3  }
0x22: {  	[tilespmem:s1], [sflag:$0x1] =	stream.indirect_vreg.gather [hbm4b:s4+s2], $0x80, v4, vm0, $0xb8;
	[tilespmem:$0xC080] =	vst v63  }
0x23: {  	_ = 	snop  }
0x24: {  	[tilespmem:s9], [sflag:$0x1] =	stream.indirect_vreg.gather [hbm4b:s5+s2], $0x80, v4, vm0, $0xb8;
	[tilespmem:$0xC080] =	vst v63  }
0x25: {  	_ = 	snop  }
0x26: {  	[tilespmem:s10], [sflag:$0x1] =	stream.indirect_vreg.gather [hbm4b:s3+s2], $0x80, v3, vm0, $0xb8;
	[tilespmem:$0xC080] =	vst v63  }
0x27: {  	_ = 	snop  }
0x28: {  	[tilespmem:s11], [sflag:$0x1] =	stream.indirect_vreg.gather [hbm4b:s4+s2], $0x80, v3, vm0, $0xb8;
	[tilespmem:$0xC080] =	vst v63  }
0x29: {  	_ = 	snop  }
0x2a: {  	[tilespmem:s12], [sflag:$0x1] =	stream.indirect_vreg.gather [hbm4b:s5+s2], $0x80, v3, vm0, $0xb8;
	[tilespmem:$0xC080] =	vst v63  }
0x2b: {  	v3 =	vld [tilespmem:$0x10];
	_ =	sdelay $0x4  }
0x2c: {  	v61 =	vshrl.u32 v3, $0x3  }
0x2d: {  	v4 =	vmul.u32 $0x30, v61  }
0x2e: {  	v3 =	vand.u32 $0x7, v3  }
0x2f: {  	v3 =	vor.u32 v3, v4  }
0x30: {  	v4 =	vperm.xlane v3, v0;
	_ =	sdelay $0x1  }
0x31: {  	v4 =	vadd.s32 v1, v4;
	_ =	sdelay $0x3  }
0x32: {  	v3 =	vperm.xlane v3, v2  }
0x33: {  	[tilespmem:s13], [sflag:$0x1] =	stream.indirect_vreg.gather [hbm4b:s3+s2], $0x80, v4, vm0, $0xb8;
	[tilespmem:$0xC080] =	vst v63  }
0x34: {  	v3 =	vadd.s32 v1, v3  }
0x35: {  	[tilespmem:s14], [sflag:$0x1] =	stream.indirect_vreg.gather [hbm4b:s4+s2], $0x80, v4, vm0, $0xb8;
	[tilespmem:$0xC080] =	vst v63  }
0x36: {  	_ = 	snop  }
0x37: {  	[tilespmem:s15], [sflag:$0x1] =	stream.indirect_vreg.gather [hbm4b:s5+s2], $0x80, v4, vm0, $0xb8;
	[tilespmem:$0xC080] =	vst v63  }
0x38: {  	_ = 	snop  }
0x39: {  	[tilespmem:s16], [sflag:$0x1] =	stream.indirect_vreg.gather [hbm4b:s3+s2], $0x80, v3, vm0, $0xb8;
	[tilespmem:$0xC080] =	vst v63  }
0x3a: {  	_ = 	snop  }
0x3b: {  	[tilespmem:s17], [sflag:$0x1] =	stream.indirect_vreg.gather [hbm4b:s4+s2], $0x80, v3, vm0, $0xb8;
	[tilespmem:$0xC080] =	vst v63  }
0x3c: {  	_ = 	snop  }
0x3d: {  	[tilespmem:s18], [sflag:$0x1] =	stream.indirect_vreg.gather [hbm4b:s5+s2], $0x80, v3, vm0, $0xb8;
	[tilespmem:$0xC080] =	vst v63  }
0x3e: {  	v3 =	vld [tilespmem:$0x20];
	_ =	sdelay $0x4  }
0x3f: {  	v62 =	vshrl.u32 v3, $0x3  }
0x40: {  	v4 =	vmul.u32 $0x30, v62  }
0x41: {  	v3 =	vand.u32 $0x7, v3  }
0x42: {  	v3 =	vor.u32 v3, v4  }
0x43: {  	v4 =	vperm.xlane v3, v0;
	_ =	sdelay $0x1  }
0x44: {  	v4 =	vadd.s32 v1, v4;
	_ =	sdelay $0x3  }
0x45: {  	v3 =	vperm.xlane v3, v2  }
0x46: {  	[tilespmem:s19], [sflag:$0x1] =	stream.indirect_vreg.gather [hbm4b:s3+s2], $0x80, v4, vm0, $0xb8;
	[tilespmem:$0xC080] =	vst v63  }
0x47: {  	v3 =	vadd.s32 v1, v3  }
0x48: {  	[tilespmem:s20], [sflag:$0x1] =	stream.indirect_vreg.gather [hbm4b:s4+s2], $0x80, v4, vm0, $0xb8;
	[tilespmem:$0xC080] =	vst v63  }
0x49: {  	_ = 	snop  }
0x4a: {  	[tilespmem:s21], [sflag:$0x1] =	stream.indirect_vreg.gather [hbm4b:s5+s2], $0x80, v4, vm0, $0xb8;
	[tilespmem:$0xC080] =	vst v63  }
0x4b: {  	_ = 	snop  }
0x4c: {  	[tilespmem:s22], [sflag:$0x1] =	stream.indirect_vreg.gather [hbm4b:s3+s2], $0x80, v3, vm0, $0xb8;
	[tilespmem:$0xC080] =	vst v63  }
0x4d: {  	_ = 	snop  }
0x4e: {  	[tilespmem:s23], [sflag:$0x1] =	stream.indirect_vreg.gather [hbm4b:s4+s2], $0x80, v3, vm0, $0xb8;
	[tilespmem:$0xC080] =	vst v63  }
0x4f: {  	_ = 	snop  }
0x50: {  	[tilespmem:s24], [sflag:$0x1] =	stream.indirect_vreg.gather [hbm4b:s5+s2], $0x80, v3, vm0, $0xb8;
	[tilespmem:$0xC080] =	vst v63  }
0x51: {  	v3 =	vld [tilespmem:$0x30];
	_ =	sdelay $0x4  }
0x52: {  	v63 =	vshrl.u32 v3, $0x3  }
0x53: {  	v4 =	vmul.u32 $0x30, v63  }
0x54: {  	v3 =	vand.u32 $0x7, v3  }
0x55: {  	v3 =	vor.u32 v3, v4  }
0x56: {  	v4 =	vperm.xlane v3, v0;
	_ =	sdelay $0x1  }
0x57: {  	v4 =	vadd.s32 v1, v4;
	_ =	sdelay $0x3  }
0x58: {  	v3 =	vperm.xlane v3, v2  }
0x59: {  	[tilespmem:s25], [sflag:$0x1] =	stream.indirect_vreg.gather [hbm4b:s3+s2], $0x80, v4, vm0, $0xb8;
	[tilespmem:$0xC080] =	vst v63  }
0x5a: {  	v3 =	vadd.s32 v1, v3  }
0x5b: {  	[tilespmem:s26], [sflag:$0x1] =	stream.indirect_vreg.gather [hbm4b:s4+s2], $0x80, v4, vm0, $0xb8;
	[tilespmem:$0xC080] =	vst v63  }
0x5c: {  	_ = 	snop  }
0x5d: {  	[tilespmem:s28], [sflag:$0x1] =	stream.indirect_vreg.gather [hbm4b:s5+s2], $0x80, v4, vm0, $0xb8;
	[tilespmem:$0xC080] =	vst v63  }
0x5e: {  	_ = 	snop  }
0x5f: {  	[tilespmem:s29], [sflag:$0x1] =	stream.indirect_vreg.gather [hbm4b:s3+s2], $0x80, v3, vm0, $0xb8;
	[tilespmem:$0xC080] =	vst v63  }
0x60: {  	_ = 	snop  }
0x61: {  	[tilespmem:s30], [sflag:$0x1] =	stream.indirect_vreg.gather [hbm4b:s4+s2], $0x80, v3, vm0, $0xb8;
	[tilespmem:$0xC080] =	vst v63  }
0x62: {  	_ = 	snop  }
0x63: {  	[tilespmem:s31], [sflag:$0x1] =	stream.indirect_vreg.gather [hbm4b:s5+s2], $0x80, v3, vm0, $0xb8;
	[tilespmem:$0xC080] =	vst v63  }
0x64: {  	_ =	swait.ge [sflag:s0], $0xC000  }
0x65: {  	p0 =	sne.s32 s6, $0x1;
	[sflag:s0] =	ssyncset.done $0x0  }
.Ltmp0:
0x66: {  	s1 =	rddreg [dreg:$0x4];
	[sflag:s0] =	ssyncadd.s32 $0xFFFF4000;
	(pc) =	sbr.rel @p0 .LBB2_1-.Ltmp0, $4  }
0x67: {  	[hbm4b:s1+s2] =	stream.linear.scatter [tilespmem:s8], [sflag:$0x2], $0xC000, $0x38;
	[tilespmem:$0xC080] =	vst v63  }
0x68: {  	_ =	swait.ge [sflag:s7], $0xC000  }
0x69: {  	[sflag:s7] =	ssyncset.done $0x0  }
0x6a: {  	s6 =	sadd.s32 $0xFFFFFFFF, s6;
	[sflag:s7] =	ssyncadd.s32 $0xFFFF4000  }
0x6b: {  	_ =	sfence.sel $0x180000  }
0x6c: {  	[bflag:$0x0] =	sbarrier.arrive $0xFFFF  }
0x6d: {  	_ =	strace $0x9000004A  }
0x6e: {  	s0 =	stileid.u32;
	[bflag:$0x2] =	sbarrier.arrive $0xFFFF  }
0x6f: {  	p0 =	sne.s32 s0, $0x0;
	s0 =	rddreg [dreg:$0x2]  }
0x70: {  	s0 =	sadd.s32 @!p0 $0x100000, s0  }
0x71: {  	[sflag:s0] =	ssyncadd.tile.s32 @!p0 $0x1;
	_ =	shalt  }
.Lfunc_end2:
_tile_overlayer_lowered:
.L_overlay_start_2:
0x72: {  	(tag) =	ssettag $0x2  }
0x73: {  	s0 =	rddreg [dreg:$0x0];
	s2 =	stileid.u32  }
0x74: {  	s1 =	rddreg [dreg:$0x1];
	p0 =	sne.s32 s2, $0x0  }
0x75: {  	s3 =	rddreg [dreg:$0x2];
	[bflag:$0x3] =	sbarrier.arrive $0xFFFF;
	s2 =	simm.s32 @!p0 $0x1C02  }
0x76: {  	[timem:s3], [sflag:s2] =	dma.local @!p0 [hbm:s0], s1  }
0x77: {  	s0 =	simm.s32 @!p0 $0x2  }
0x78: {  	_ =	swait.ge @!p0 [sflag:s0], s1  }
0x79: {  	s1 =	ssub.s32 @!p0 $0x0, s1;
	[sflag:s0] =	ssyncset.done @!p0 $0x0  }
0x7a: {  	[sflag:s0] =	ssyncadd.s32 @!p0 s1  }
0x7b: {  	[bflag:$0x3] =	sbarrier.arrive $0xFFFF  }
0x7c: {  	_ =	shalt  }

</sc_bundles>
